<compile_context>
chip_gen: v7x
topology: tpu7x:2x2x1
jax: 0.10.2.dev20260603
libtpu: 0.0.44.dev20260713+nightly
codegen_flags: <defaults>
</compile_context>

<pallas_src>
import functools

import jax
import jax.numpy as jnp
from jax import lax
from jax.experimental import pallas as pl
from jax.experimental.pallas import tpu as pltpu
from jax.experimental.pallas import tpu_sc as plsc

NC, NS, L = 2, 16, 16

_B, _T, _V, _D = 8, 2048, 16, 8
_N = _B * _T
_DEPTH = _D + _V
_W = _DEPTH + 2
_NROWS = _V * _N + _D * _B
_NR = _N // 128


def _sc_body(ttab, vtab, mtab, tc_hbm, vc_hbm, cnt_hbm,
             vidx_v, tidx_v, tbuf, vbuf, mbuf, tc_v, vc_v, cnt_v, sem):
    wid = lax.axis_index("s") * NC + lax.axis_index("c")
    iota = lax.iota(jnp.int32, L)

    @pl.when(wid < _V)
    def _channel():
        x = wid
        xt = lax.shift_right_logical(x, 3)
        xs = x & 7

        def idxfill(k, _):
            i = k * L + iota
            b = lax.shift_right_logical(i, 4)
            tt = i & 15
            vidx_v[pl.ds(k * L, L)] = b * 256 + xt * 128 + tt * 8 + xs
            tidx_v[pl.ds(k * L, L)] = tt * 8 + b
            return 0

        lax.fori_loop(0, _NR // L, idxfill, 0)
        cp1 = pltpu.async_copy(vtab.at[vidx_v], vbuf, sem)
        cp1.wait()
        cp2 = pltpu.async_copy(mtab.at[vidx_v], mbuf, sem)
        cp2.wait()
        cp3 = pltpu.async_copy(ttab.at[tidx_v], tbuf, sem)
        cp3.wait()

        def comp(r, w):
            ms = [mbuf[r, pl.ds(u * L, L)] for u in range(8)]
            incs = [plsc.cumsum(m) for m in ms]
            sums = [jnp.sum(m) for m in ms]
            wu = w
            for u in range(8):
                idx = wu + incs[u] - ms[u]
                mb = ms[u] != 0
                plsc.store_scatter(tc_v, [idx], tbuf[r, pl.ds(u * L, L)],
                                   mask=mb)
                plsc.store_scatter(vc_v, [idx], vbuf[r, pl.ds(u * L, L)],
                                   mask=mb)
                wu = wu + sums[u]
            return wu

        n_x = lax.fori_loop(0, _NR, comp, jnp.int32(0))
        cnt_v[...] = jnp.zeros((L,), jnp.int32) + n_x
        pltpu.sync_copy(tc_v, tc_hbm.at[pl.ds(x * _N, _N)])
        pltpu.sync_copy(vc_v, vc_hbm.at[pl.ds(x * _N, _N)])
        pltpu.sync_copy(cnt_v, cnt_hbm.at[pl.ds(x * L, L)])


@functools.partial(
    pl.kernel,
    out_type=(
        jax.ShapeDtypeStruct((_V * _N,), jnp.float32),
        jax.ShapeDtypeStruct((_V * _N,), jnp.float32),
        jax.ShapeDtypeStruct((_V * L,), jnp.int32),
    ),
    mesh=plsc.VectorSubcoreMesh(core_axis_name="c", subcore_axis_name="s",
                                num_cores=NC, num_subcores=NS),
    compiler_params=pltpu.CompilerParams(needs_layout_passes=False),
    scratch_types=[
        pltpu.VMEM((_NR,), jnp.int32),
        pltpu.VMEM((_NR,), jnp.int32),
        pltpu.VMEM((_NR, 128), jnp.float32),
        pltpu.VMEM((_NR, 128), jnp.float32),
        pltpu.VMEM((_NR, 128), jnp.int32),
        pltpu.VMEM((_N,), jnp.float32),
        pltpu.VMEM((_N,), jnp.float32),
        pltpu.VMEM((L,), jnp.int32),
        pltpu.SemaphoreType.DMA,
    ],
)
def _sc_kernel(ttab, vtab, mtab, tc_hbm, vc_hbm, cnt_hbm,
               vidx_v, tidx_v, tbuf, vbuf, mbuf, tc_v, vc_v, cnt_v, sem):
    _sc_body(ttab, vtab, mtab, tc_hbm, vc_hbm, cnt_hbm,
             vidx_v, tidx_v, tbuf, vbuf, mbuf, tc_v, vc_v, cnt_v, sem)


_BW = 16384
_NBLK = _V * _N // _BW
_BPC = _N // _BW


def _build_body(n_ref, t_ref, v_ref, d_ref, out_ref):
    i = pl.program_id(0)
    x = jnp.minimum(i // _BPC, _V - 1)
    t = t_ref[...].reshape(1, _BW)
    v = v_ref[...].reshape(1, _BW)
    zero = jnp.zeros((_W, _BW), jnp.float32)
    out_ref[...] = zero

    @pl.when(i < _NBLK)
    def _main():
        n_x = n_ref[x * L]
        jloc = (i % _BPC) * _BW + lax.broadcasted_iota(jnp.int32, (1, _BW), 1)
        valid = jloc < n_x
        out_ref[0:1, :] = jnp.where(valid, t, 0.0)
        out_ref[25:26, :] = jnp.where(valid, v, 0.0)
        out_ref[pl.ds(1 + x, 1), :] = jnp.where(valid, 1.0, 0.0)

    @pl.when(i == _NBLK)
    def _demo():
        r2 = lax.broadcasted_iota(jnp.int32, (_W, _BW), 0)
        k2 = lax.broadcasted_iota(jnp.int32, (_W, _BW), 1)
        oneh = jnp.where(r2 == _V + lax.shift_right_logical(k2, 3), 1.0, 0.0)
        dv = jnp.where(r2 == _W - 1, d_ref[...] + zero, 0.0)
        out_ref[...] = jnp.where(k2 < _D * _B, oneh + dv, 0.0)


def _build(counts, tc2, vc2, demorow):
    rows = _BW // 128
    clamp = lambda i: (jnp.minimum(i, _NBLK - 1), 0)
    return pl.pallas_call(
        _build_body,
        grid=(_NBLK + 1,),
        in_specs=[
            pl.BlockSpec(memory_space=pltpu.SMEM),
            pl.BlockSpec((rows, 128), clamp),
            pl.BlockSpec((rows, 128), clamp),
            pl.BlockSpec((1, _BW), lambda i: (0, 0)),
        ],
        out_specs=pl.BlockSpec((_W, _BW), lambda i: (0, i)),
        out_shape=jax.ShapeDtypeStruct((_W, _NROWS), jnp.float32),
    )(counts, tc2, vc2, demorow)


def kernel(demo, times, values, measurements):
    vtab = (values.reshape(_B, 16, 128, 2, 8)
            .transpose(0, 3, 1, 4, 2).reshape(2048, 128))
    mtab = (measurements.astype(jnp.int32).reshape(_B, 16, 128, 2, 8)
            .transpose(0, 3, 1, 4, 2).reshape(2048, 128))
    ttab = times.reshape(_B, 16, 128).transpose(1, 0, 2).reshape(128, 128)
    tc_all, vc_all, counts = _sc_kernel(ttab, vtab, mtab)
    demorow = jnp.concatenate(
        [demo.T.reshape(1, _D * _B),
         jnp.zeros((1, _BW - _D * _B), jnp.float32)], axis=1)
    ot = _build(counts, tc_all.reshape(2048, 128), vc_all.reshape(2048, 128),
                demorow)
    return ot.T

# --- scband reference (transcript-rebuilt; emitter-appended) ---
"""Pipeline reference for scband-data-processing-33595234189952 (READ-ONLY COPY).

The authoritative reference and input builder live on the scoring server;
editing this copy changes nothing except your own understanding.
"""

import jax, jax.numpy as jnp
import numpy as np

B, T, V, D = 8, 2048, 16, 8

def setup_inputs(seed: int = 0):
    key = jax.random.key(seed)
    k1, k2, k3, k4 = jax.random.split(key, 4)
    demo = jax.random.normal(k1, (B, D), dtype=jnp.float32)
    times = jax.random.uniform(k2, (B, T), dtype=jnp.float32)
    values = jax.random.normal(k3, (B, T, V), dtype=jnp.float32)
    measurements = jax.random.bernoulli(k4, 0.5, (B, T, V))
    return {"demo": demo, "times": times, "values": values, "measurements": measurements}

def reference(demo, times, values, measurements):
    # Faithful dense translation of the TF ragged data_processing layer.
    # For each measurement channel x: gather the (batch, time) entries where
    # measurements[:, :, x] is True, tagging each with [time, one_hot(x, depth), value].
    # Entries are grouped by batch row (RaggedTensor.from_value_rowids is emulated by a
    # stable argsort on batch ids, with invalid entries compacted to the end as zero pads
    # whose one-hot channel id is -1, i.e. an all-zero one-hot -- matching the TF pad_zero-1).
    # For each demo channel x: a single row per batch with time=0,
    # one_hot(val_chan + x - 1, depth) and value demo[:, x].
    Bv, Tv = times.shape
    Vv = values.shape[-1]
    Dv = demo.shape[-1]
    depth = Dv + Vv
    batch_ids = jnp.repeat(jnp.arange(Bv), Tv)
    tim_flat = times.reshape(-1)
    outs = []
    for x in range(Vv):
        mask = measurements[:, :, x].reshape(-1)
        val = values[:, :, x].reshape(-1)
        key_ids = jnp.where(mask, batch_ids, Bv)
        order = jnp.argsort(key_ids)
        tim_s = jnp.where(mask, tim_flat, 0.0)[order]
        val_s = jnp.where(mask, val, 0.0)[order]
        chan = jnp.where(mask, x, -1)[order]
        csd = jax.nn.one_hot(chan, depth, dtype=jnp.float32)
        feat = jnp.concatenate([tim_s[:, None], csd, val_s[:, None]], axis=-1)
        outs.append(feat)
    vals_part = jnp.stack(outs, 0).reshape(-1, depth + 2)
    demo_feats = []
    for x in range(Dv):
        csd = jax.nn.one_hot(jnp.full((Bv,), Vv + x - 1), depth, dtype=jnp.float32)
        feat = jnp.concatenate([jnp.zeros((Bv, 1), jnp.float32), csd, demo[:, x:x + 1]], axis=-1)
        demo_feats.append(feat)
    demo_part = jnp.stack(demo_feats, 0).reshape(-1, depth + 2)
    return jnp.concatenate([vals_part, demo_part], axis=0)

if __name__ == "__main__":
    import jax
    _d = setup_inputs()
    print(jax.jit(kernel)(*tuple(_d.values())))

</pallas_src>

<mosaic_0001>
#map = affine_map<(d0, d1) -> (0, 0)>
#map1 = affine_map<(d0, d1) -> (0)>
module attributes {stable_mosaic.version = 14 : i64} {
  func.func @_sc_kernel(%arg0: i32, %arg1: i32, %arg2: memref<128x128xf32, #tpu.memory_space<hbm>>, %arg3: memref<2048x128xf32, #tpu.memory_space<hbm>>, %arg4: memref<2048x128xi32, #tpu.memory_space<hbm>>, %arg5: memref<262144xf32, #tpu.memory_space<hbm>>, %arg6: memref<262144xf32, #tpu.memory_space<hbm>>, %arg7: memref<256xi32, #tpu.memory_space<hbm>>, %arg8: memref<128xi32, #tpu.memory_space<vmem>>, %arg9: memref<128xi32, #tpu.memory_space<vmem>>, %arg10: memref<128x128xf32, #tpu.memory_space<vmem>>, %arg11: memref<128x128xf32, #tpu.memory_space<vmem>>, %arg12: memref<128x128xi32, #tpu.memory_space<vmem>>, %arg13: memref<16384xf32, #tpu.memory_space<vmem>>, %arg14: memref<16384xf32, #tpu.memory_space<vmem>>, %arg15: memref<16xi32, #tpu.memory_space<vmem>>, %arg16: memref<!tpu.dma_semaphore, #tpu.memory_space<semaphore_mem>>) attributes {dimension_semantics = [#tpu.dimension_semantics<core_parallel>, #tpu.dimension_semantics<subcore_parallel>], iteration_bounds = array<i64: 2, 16>, scalar_prefetch = 0 : i64, scratch_operands = 9 : i64, tpu.core_type = #tpu.core_type<sc_vector_subcore>, window_params = [{transform_indices = #map}, {transform_indices = #map}, {transform_indices = #map}, {transform_indices = #map1}, {transform_indices = #map1}, {transform_indices = #map1}]} {
    %mul3A = arith.constant 2 : i32
    %mul3A_0 = arith.muli %arg1, %mul3A : i32
    %add3A = arith.addi %mul3A_0, %arg0 : i32
    %iota3A = tpu.iota {dimensions = array<i32: 0>} : vector<16xi32>
    %lt3A = arith.constant 16 : i32
    %lt3A_1 = arith.cmpi slt, %add3A, %lt3A : i32
    %convert_element_type3A = arith.extui %lt3A_1 : i1 to i32
    %cond3A = arith.constant 0 : i32
    %cond3A_2 = arith.cmpi ne, %convert_element_type3A, %cond3A : i32
    scf.if %cond3A_2 {
      %shift_right_logical3A = arith.constant 3 : i32
      %shift_right_logical3A_3 = arith.shrui %add3A, %shift_right_logical3A : i32
      %and3A = arith.constant 7 : i32
      %and3A_4 = arith.andi %add3A, %and3A : i32
      %scan3A = arith.constant 0 : i32
      %scan3A_5 = arith.constant 0 : i32
      %scan3A_6 = arith.constant 8 : i32
      %scan3A_7 = arith.addi %scan3A_5, %scan3A_6 : i32
      %scan3A_8 = arith.constant 1 : i32
      %scan3A_9 = scf.for %scan3A_44 = %scan3A_5 to %scan3A_7 step %scan3A_8 iter_args(%scan3A_45 = %scan3A) -> (i32)  : i32 {
        %mul3A_46 = arith.constant 16 : i32
        %mul3A_47 = arith.muli %scan3A_44, %mul3A_46 : i32
        %add3A_48 = vector.broadcast %mul3A_47 : i32 to vector<16xi32>
        %add3A_49 = arith.addi %add3A_48, %iota3A : vector<16xi32>
        %shift_right_logical3A_50 = arith.constant 4 : i32
        %shift_right_logical3A_51 = vector.broadcast %shift_right_logical3A_50 : i32 to vector<16xi32>
        %shift_right_logical3A_52 = arith.shrui %add3A_49, %shift_right_logical3A_51 : vector<16xi32>
        %and3A_53 = arith.constant 15 : i32
        %and3A_54 = vector.broadcast %and3A_53 : i32 to vector<16xi32>
        %and3A_55 = arith.andi %add3A_49, %and3A_54 : vector<16xi32>
        %mul3A_56 = arith.constant 256 : i32
        %mul3A_57 = vector.broadcast %mul3A_56 : i32 to vector<16xi32>
        %mul3A_58 = arith.muli %shift_right_logical3A_52, %mul3A_57 : vector<16xi32>
        %mul3A_59 = arith.constant 128 : i32
        %mul3A_60 = arith.muli %shift_right_logical3A_3, %mul3A_59 : i32
        %add3A_61 = vector.broadcast %mul3A_60 : i32 to vector<16xi32>
        %add3A_62 = arith.addi %mul3A_58, %add3A_61 : vector<16xi32>
        %mul3A_63 = arith.constant 8 : i32
        %mul3A_64 = vector.broadcast %mul3A_63 : i32 to vector<16xi32>
        %mul3A_65 = arith.muli %and3A_55, %mul3A_64 : vector<16xi32>
        %add3A_66 = arith.addi %add3A_62, %mul3A_65 : vector<16xi32>
        %add3A_67 = vector.broadcast %and3A_4 : i32 to vector<16xi32>
        %add3A_68 = arith.addi %add3A_66, %add3A_67 : vector<16xi32>
        %mul3A_69 = arith.constant 16 : i32
        %mul3A_70 = arith.muli %scan3A_44, %mul3A_69 : i32
        %swap3A_71 = arith.index_cast %mul3A_70 : i32 to index
        %swap3A_72 = tpu.vector_load %arg8[%swap3A_71] {strides = array<i32>} : memref<128xi32, #tpu.memory_space<vmem>>, vector<16xi32>,
        tpu.vector_store %arg8[%swap3A_71], %add3A_68 {strides = array<i32>} : memref<128xi32, #tpu.memory_space<vmem>>, vector<16xi32>,
        %mul3A_73 = arith.constant 8 : i32
        %mul3A_74 = vector.broadcast %mul3A_73 : i32 to vector<16xi32>
        %mul3A_75 = arith.muli %and3A_55, %mul3A_74 : vector<16xi32>
        %add3A_76 = arith.addi %mul3A_75, %shift_right_logical3A_52 : vector<16xi32>
        %mul3A_77 = arith.constant 16 : i32
        %mul3A_78 = arith.muli %scan3A_44, %mul3A_77 : i32
        %swap3A_79 = arith.index_cast %mul3A_78 : i32 to index
        %swap3A_80 = tpu.vector_load %arg9[%swap3A_79] {strides = array<i32>} : memref<128xi32, #tpu.memory_space<vmem>>, vector<16xi32>,
        tpu.vector_store %arg9[%swap3A_79], %add3A_76 {strides = array<i32>} : memref<128xi32, #tpu.memory_space<vmem>>, vector<16xi32>,
        %scan3A_81 = arith.constant 0 : i32
        scf.yield %scan3A_81 : i32
      }
      %scan3A_10 = arith.constant 8 : i32
      %dma_start3A = arith.constant 0 : i32
      %dma_start3A_11 = arith.constant 0 : i32
      %dma_start3A_12 = tpu.memref_slice %arg3[%dma_start3A, %dma_start3A_11] : memref<2048x128xf32, #tpu.memory_space<hbm>> -> memref<2048x128xf32, #tpu.memory_space<hbm>>
      tpu.enqueue_indirect_dma source(%dma_start3A_12 : memref<2048x128xf32, #tpu.memory_space<hbm>>) target(%arg11 : memref<128x128xf32, #tpu.memory_space<vmem>>) offsets(%arg8 : memref<128xi32, #tpu.memory_space<vmem>>) semaphore(%arg16 : memref<!tpu.dma_semaphore, #tpu.memory_space<semaphore_mem>>)
      %dma_wait3A = arith.constant 0 : i32
      %dma_wait3A_13 = arith.constant 0 : i32
      %dma_wait3A_14 = tpu.memref_slice %arg3[%dma_wait3A, %dma_wait3A_13] : memref<2048x128xf32, #tpu.memory_space<hbm>> -> memref<2048x128xf32, #tpu.memory_space<hbm>>
      tpu.wait_indirect_dma semaphore(%arg16 : memref<!tpu.dma_semaphore, #tpu.memory_space<semaphore_mem>>) src(%dma_wait3A_14 : memref<2048x128xf32, #tpu.memory_space<hbm>>) dst(%arg11 : memref<128x128xf32, #tpu.memory_space<vmem>>)
      %dma_start3A_15 = arith.constant 0 : i32
      %dma_start3A_16 = arith.constant 0 : i32
      %dma_start3A_17 = tpu.memref_slice %arg4[%dma_start3A_15, %dma_start3A_16] : memref<2048x128xi32, #tpu.memory_space<hbm>> -> memref<2048x128xi32, #tpu.memory_space<hbm>>
      tpu.enqueue_indirect_dma source(%dma_start3A_17 : memref<2048x128xi32, #tpu.memory_space<hbm>>) target(%arg12 : memref<128x128xi32, #tpu.memory_space<vmem>>) offsets(%arg8 : memref<128xi32, #tpu.memory_space<vmem>>) semaphore(%arg16 : memref<!tpu.dma_semaphore, #tpu.memory_space<semaphore_mem>>)
      %dma_wait3A_18 = arith.constant 0 : i32
      %dma_wait3A_19 = arith.constant 0 : i32
      %dma_wait3A_20 = tpu.memref_slice %arg4[%dma_wait3A_18, %dma_wait3A_19] : memref<2048x128xi32, #tpu.memory_space<hbm>> -> memref<2048x128xi32, #tpu.memory_space<hbm>>
      tpu.wait_indirect_dma semaphore(%arg16 : memref<!tpu.dma_semaphore, #tpu.memory_space<semaphore_mem>>) src(%dma_wait3A_20 : memref<2048x128xi32, #tpu.memory_space<hbm>>) dst(%arg12 : memref<128x128xi32, #tpu.memory_space<vmem>>)
      %dma_start3A_21 = arith.constant 0 : i32
      %dma_start3A_22 = arith.constant 0 : i32
      %dma_start3A_23 = tpu.memref_slice %arg2[%dma_start3A_21, %dma_start3A_22] : memref<128x128xf32, #tpu.memory_space<hbm>> -> memref<128x128xf32, #tpu.memory_space<hbm>>
      tpu.enqueue_indirect_dma source(%dma_start3A_23 : memref<128x128xf32, #tpu.memory_space<hbm>>) target(%arg10 : memref<128x128xf32, #tpu.memory_space<vmem>>) offsets(%arg9 : memref<128xi32, #tpu.memory_space<vmem>>) semaphore(%arg16 : memref<!tpu.dma_semaphore, #tpu.memory_space<semaphore_mem>>)
      %dma_wait3A_24 = arith.constant 0 : i32
      %dma_wait3A_25 = arith.constant 0 : i32
      %dma_wait3A_26 = tpu.memref_slice %arg2[%dma_wait3A_24, %dma_wait3A_25] : memref<128x128xf32, #tpu.memory_space<hbm>> -> memref<128x128xf32, #tpu.memory_space<hbm>>
      tpu.wait_indirect_dma semaphore(%arg16 : memref<!tpu.dma_semaphore, #tpu.memory_space<semaphore_mem>>) src(%dma_wait3A_26 : memref<128x128xf32, #tpu.memory_space<hbm>>) dst(%arg10 : memref<128x128xf32, #tpu.memory_space<vmem>>)
      %scan3A_27 = arith.constant 0 : i32
      %scan3A_28 = arith.constant 0 : i32
      %scan3A_29 = arith.constant 128 : i32
      %scan3A_30 = arith.addi %scan3A_28, %scan3A_29 : i32
      %scan3A_31 = arith.constant 1 : i32
      %scan3A_32 = scf.for %scan3A_44 = %scan3A_28 to %scan3A_30 step %scan3A_31 iter_args(%scan3A_45 = %scan3A_27) -> (i32)  : i32 {
        %get3A = arith.index_cast %scan3A_44 : i32 to index
        %get3A_46 = arith.constant 0 : index
        %get3A_47 = tpu.vector_load %arg12[%get3A, %get3A_46] {strides = array<i32>} : memref<128x128xi32, #tpu.memory_space<vmem>>, vector<16xi32>,
        %get3A_48 = arith.index_cast %scan3A_44 : i32 to index
        %get3A_49 = arith.constant 16 : index
        %get3A_50 = tpu.vector_load %arg12[%get3A_48, %get3A_49] {strides = array<i32>} : memref<128x128xi32, #tpu.memory_space<vmem>>, vector<16xi32>,
        %get3A_51 = arith.index_cast %scan3A_44 : i32 to index
        %get3A_52 = arith.constant 32 : index
        %get3A_53 = tpu.vector_load %arg12[%get3A_51, %get3A_52] {strides = array<i32>} : memref<128x128xi32, #tpu.memory_space<vmem>>, vector<16xi32>,
        %get3A_54 = arith.index_cast %scan3A_44 : i32 to index
        %get3A_55 = arith.constant 48 : index
        %get3A_56 = tpu.vector_load %arg12[%get3A_54, %get3A_55] {strides = array<i32>} : memref<128x128xi32, #tpu.memory_space<vmem>>, vector<16xi32>,
        %get3A_57 = arith.index_cast %scan3A_44 : i32 to index
        %get3A_58 = arith.constant 64 : index
        %get3A_59 = tpu.vector_load %arg12[%get3A_57, %get3A_58] {strides = array<i32>} : memref<128x128xi32, #tpu.memory_space<vmem>>, vector<16xi32>,
        %get3A_60 = arith.index_cast %scan3A_44 : i32 to index
        %get3A_61 = arith.constant 80 : index
        %get3A_62 = tpu.vector_load %arg12[%get3A_60, %get3A_61] {strides = array<i32>} : memref<128x128xi32, #tpu.memory_space<vmem>>, vector<16xi32>,
        %get3A_63 = arith.index_cast %scan3A_44 : i32 to index
        %get3A_64 = arith.constant 96 : index
        %get3A_65 = tpu.vector_load %arg12[%get3A_63, %get3A_64] {strides = array<i32>} : memref<128x128xi32, #tpu.memory_space<vmem>>, vector<16xi32>,
        %get3A_66 = arith.index_cast %scan3A_44 : i32 to index
        %get3A_67 = arith.constant 112 : index
        %get3A_68 = tpu.vector_load %arg12[%get3A_66, %get3A_67] {strides = array<i32>} : memref<128x128xi32, #tpu.memory_space<vmem>>, vector<16xi32>,
        %broadcast_in_dim3A_69 = arith.constant true
        %broadcast_in_dim3A_70 = vector.broadcast %broadcast_in_dim3A_69 : i1 to vector<16xi1>
        %masked_cumsum3A = tpu.scan <sum>, %get3A_47 masked %broadcast_in_dim3A_70 : vector<16xi32>, vector<16xi1> -> vector<16xi32>
        %broadcast_in_dim3A_71 = arith.constant true
        %broadcast_in_dim3A_72 = vector.broadcast %broadcast_in_dim3A_71 : i1 to vector<16xi1>
        %masked_cumsum3A_73 = tpu.scan <sum>, %get3A_50 masked %broadcast_in_dim3A_72 : vector<16xi32>, vector<16xi1> -> vector<16xi32>
        %broadcast_in_dim3A_74 = arith.constant true
        %broadcast_in_dim3A_75 = vector.broadcast %broadcast_in_dim3A_74 : i1 to vector<16xi1>
        %masked_cumsum3A_76 = tpu.scan <sum>, %get3A_53 masked %broadcast_in_dim3A_75 : vector<16xi32>, vector<16xi1> -> vector<16xi32>
        %broadcast_in_dim3A_77 = arith.constant true
        %broadcast_in_dim3A_78 = vector.broadcast %broadcast_in_dim3A_77 : i1 to vector<16xi1>
        %masked_cumsum3A_79 = tpu.scan <sum>, %get3A_56 masked %broadcast_in_dim3A_78 : vector<16xi32>, vector<16xi1> -> vector<16xi32>
        %broadcast_in_dim3A_80 = arith.constant true
        %broadcast_in_dim3A_81 = vector.broadcast %broadcast_in_dim3A_80 : i1 to vector<16xi1>
        %masked_cumsum3A_82 = tpu.scan <sum>, %get3A_59 masked %broadcast_in_dim3A_81 : vector<16xi32>, vector<16xi1> -> vector<16xi32>
        %broadcast_in_dim3A_83 = arith.constant true
        %broadcast_in_dim3A_84 = vector.broadcast %broadcast_in_dim3A_83 : i1 to vector<16xi1>
        %masked_cumsum3A_85 = tpu.scan <sum>, %get3A_62 masked %broadcast_in_dim3A_84 : vector<16xi32>, vector<16xi1> -> vector<16xi32>
        %broadcast_in_dim3A_86 = arith.constant true
        %broadcast_in_dim3A_87 = vector.broadcast %broadcast_in_dim3A_86 : i1 to vector<16xi1>
        %masked_cumsum3A_88 = tpu.scan <sum>, %get3A_65 masked %broadcast_in_dim3A_87 : vector<16xi32>, vector<16xi1> -> vector<16xi32>
        %broadcast_in_dim3A_89 = arith.constant true
        %broadcast_in_dim3A_90 = vector.broadcast %broadcast_in_dim3A_89 : i1 to vector<16xi1>
        %masked_cumsum3A_91 = tpu.scan <sum>, %get3A_68 masked %broadcast_in_dim3A_90 : vector<16xi32>, vector<16xi1> -> vector<16xi32>
        %reduce_sum3A = arith.constant true
        %reduce_sum3A_92 = vector.broadcast %reduce_sum3A : i1 to vector<16xi1>
        %reduce_sum3A_93 = tpu.scan <sum>, %get3A_47 masked %reduce_sum3A_92 : vector<16xi32>, vector<16xi1> -> vector<16xi32>
        %reduce_sum3A_94 = vector.extract %reduce_sum3A_93[15] : i32 from vector<16xi32>
        %reduce_sum3A_95 = arith.constant true
        %reduce_sum3A_96 = vector.broadcast %reduce_sum3A_95 : i1 to vector<16xi1>
        %reduce_sum3A_97 = tpu.scan <sum>, %get3A_50 masked %reduce_sum3A_96 : vector<16xi32>, vector<16xi1> -> vector<16xi32>
        %reduce_sum3A_98 = vector.extract %reduce_sum3A_97[15] : i32 from vector<16xi32>
        %reduce_sum3A_99 = arith.constant true
        %reduce_sum3A_100 = vector.broadcast %reduce_sum3A_99 : i1 to vector<16xi1>
        %reduce_sum3A_101 = tpu.scan <sum>, %get3A_53 masked %reduce_sum3A_100 : vector<16xi32>, vector<16xi1> -> vector<16xi32>
        %reduce_sum3A_102 = vector.extract %reduce_sum3A_101[15] : i32 from vector<16xi32>
        %reduce_sum3A_103 = arith.constant true
        %reduce_sum3A_104 = vector.broadcast %reduce_sum3A_103 : i1 to vector<16xi1>
        %reduce_sum3A_105 = tpu.scan <sum>, %get3A_56 masked %reduce_sum3A_104 : vector<16xi32>, vector<16xi1> -> vector<16xi32>
        %reduce_sum3A_106 = vector.extract %reduce_sum3A_105[15] : i32 from vector<16xi32>
        %reduce_sum3A_107 = arith.constant true
        %reduce_sum3A_108 = vector.broadcast %reduce_sum3A_107 : i1 to vector<16xi1>
        %reduce_sum3A_109 = tpu.scan <sum>, %get3A_59 masked %reduce_sum3A_108 : vector<16xi32>, vector<16xi1> -> vector<16xi32>
        %reduce_sum3A_110 = vector.extract %reduce_sum3A_109[15] : i32 from vector<16xi32>
        %reduce_sum3A_111 = arith.constant true
        %reduce_sum3A_112 = vector.broadcast %reduce_sum3A_111 : i1 to vector<16xi1>
        %reduce_sum3A_113 = tpu.scan <sum>, %get3A_62 masked %reduce_sum3A_112 : vector<16xi32>, vector<16xi1> -> vector<16xi32>
        %reduce_sum3A_114 = vector.extract %reduce_sum3A_113[15] : i32 from vector<16xi32>
        %reduce_sum3A_115 = arith.constant true
        %reduce_sum3A_116 = vector.broadcast %reduce_sum3A_115 : i1 to vector<16xi1>
        %reduce_sum3A_117 = tpu.scan <sum>, %get3A_65 masked %reduce_sum3A_116 : vector<16xi32>, vector<16xi1> -> vector<16xi32>
        %reduce_sum3A_118 = vector.extract %reduce_sum3A_117[15] : i32 from vector<16xi32>
        %reduce_sum3A_119 = arith.constant true
        %reduce_sum3A_120 = vector.broadcast %reduce_sum3A_119 : i1 to vector<16xi1>
        %reduce_sum3A_121 = tpu.scan <sum>, %get3A_68 masked %reduce_sum3A_120 : vector<16xi32>, vector<16xi1> -> vector<16xi32>
        %reduce_sum3A_122 = vector.extract %reduce_sum3A_121[15] : i32 from vector<16xi32>
        %add3A_123 = vector.broadcast %scan3A_45 : i32 to vector<16xi32>
        %add3A_124 = arith.addi %add3A_123, %masked_cumsum3A : vector<16xi32>
        %sub3A = arith.subi %add3A_124, %get3A_47 : vector<16xi32>
        %ne3A = arith.constant 0 : i32
        %ne3A_125 = vector.broadcast %ne3A : i32 to vector<16xi32>
        %ne3A_126 = arith.cmpi ne, %get3A_47, %ne3A_125 : vector<16xi32>
        %get3A_127 = arith.index_cast %scan3A_44 : i32 to index
        %get3A_128 = arith.constant 0 : index
        %get3A_129 = tpu.vector_load %arg10[%get3A_127, %get3A_128] {strides = array<i32>} : memref<128x128xf32, #tpu.memory_space<vmem>>, vector<16xf32>,
        tpu.vector_store_idx %arg13[%sub3A], %get3A_129 masked %ne3A_126 : memref<16384xf32, #tpu.memory_space<vmem>>[vector<16xi32>], vector<16xf32>, vector<16xi1>
        %get3A_130 = arith.index_cast %scan3A_44 : i32 to index
        %get3A_131 = arith.constant 0 : index
        %get3A_132 = tpu.vector_load %arg11[%get3A_130, %get3A_131] {strides = array<i32>} : memref<128x128xf32, #tpu.memory_space<vmem>>, vector<16xf32>,
        tpu.vector_store_idx %arg14[%sub3A], %get3A_132 masked %ne3A_126 : memref<16384xf32, #tpu.memory_space<vmem>>[vector<16xi32>], vector<16xf32>, vector<16xi1>
        %add3A_133 = arith.addi %scan3A_45, %reduce_sum3A_94 : i32
        %add3A_134 = vector.broadcast %add3A_133 : i32 to vector<16xi32>
        %add3A_135 = arith.addi %add3A_134, %masked_cumsum3A_73 : vector<16xi32>
        %sub3A_136 = arith.subi %add3A_135, %get3A_50 : vector<16xi32>
        %ne3A_137 = arith.constant 0 : i32
        %ne3A_138 = vector.broadcast %ne3A_137 : i32 to vector<16xi32>
        %ne3A_139 = arith.cmpi ne, %get3A_50, %ne3A_138 : vector<16xi32>
        %get3A_140 = arith.index_cast %scan3A_44 : i32 to index
        %get3A_141 = arith.constant 16 : index
        %get3A_142 = tpu.vector_load %arg10[%get3A_140, %get3A_141] {strides = array<i32>} : memref<128x128xf32, #tpu.memory_space<vmem>>, vector<16xf32>,
        tpu.vector_store_idx %arg13[%sub3A_136], %get3A_142 masked %ne3A_139 : memref<16384xf32, #tpu.memory_space<vmem>>[vector<16xi32>], vector<16xf32>, vector<16xi1>
        %get3A_143 = arith.index_cast %scan3A_44 : i32 to index
        %get3A_144 = arith.constant 16 : index
        %get3A_145 = tpu.vector_load %arg11[%get3A_143, %get3A_144] {strides = array<i32>} : memref<128x128xf32, #tpu.memory_space<vmem>>, vector<16xf32>,
        tpu.vector_store_idx %arg14[%sub3A_136], %get3A_145 masked %ne3A_139 : memref<16384xf32, #tpu.memory_space<vmem>>[vector<16xi32>], vector<16xf32>, vector<16xi1>
        %add3A_146 = arith.addi %add3A_133, %reduce_sum3A_98 : i32
        %add3A_147 = vector.broadcast %add3A_146 : i32 to vector<16xi32>
        %add3A_148 = arith.addi %add3A_147, %masked_cumsum3A_76 : vector<16xi32>
        %sub3A_149 = arith.subi %add3A_148, %get3A_53 : vector<16xi32>
        %ne3A_150 = arith.constant 0 : i32
        %ne3A_151 = vector.broadcast %ne3A_150 : i32 to vector<16xi32>
        %ne3A_152 = arith.cmpi ne, %get3A_53, %ne3A_151 : vector<16xi32>
        %get3A_153 = arith.index_cast %scan3A_44 : i32 to index
        %get3A_154 = arith.constant 32 : index
        %get3A_155 = tpu.vector_load %arg10[%get3A_153, %get3A_154] {strides = array<i32>} : memref<128x128xf32, #tpu.memory_space<vmem>>, vector<16xf32>,
        tpu.vector_store_idx %arg13[%sub3A_149], %get3A_155 masked %ne3A_152 : memref<16384xf32, #tpu.memory_space<vmem>>[vector<16xi32>], vector<16xf32>, vector<16xi1>
        %get3A_156 = arith.index_cast %scan3A_44 : i32 to index
        %get3A_157 = arith.constant 32 : index
        %get3A_158 = tpu.vector_load %arg11[%get3A_156, %get3A_157] {strides = array<i32>} : memref<128x128xf32, #tpu.memory_space<vmem>>, vector<16xf32>,
        tpu.vector_store_idx %arg14[%sub3A_149], %get3A_158 masked %ne3A_152 : memref<16384xf32, #tpu.memory_space<vmem>>[vector<16xi32>], vector<16xf32>, vector<16xi1>
        %add3A_159 = arith.addi %add3A_146, %reduce_sum3A_102 : i32
        %add3A_160 = vector.broadcast %add3A_159 : i32 to vector<16xi32>
        %add3A_161 = arith.addi %add3A_160, %masked_cumsum3A_79 : vector<16xi32>
        %sub3A_162 = arith.subi %add3A_161, %get3A_56 : vector<16xi32>
        %ne3A_163 = arith.constant 0 : i32
        %ne3A_164 = vector.broadcast %ne3A_163 : i32 to vector<16xi32>
        %ne3A_165 = arith.cmpi ne, %get3A_56, %ne3A_164 : vector<16xi32>
        %get3A_166 = arith.index_cast %scan3A_44 : i32 to index
        %get3A_167 = arith.constant 48 : index
        %get3A_168 = tpu.vector_load %arg10[%get3A_166, %get3A_167] {strides = array<i32>} : memref<128x128xf32, #tpu.memory_space<vmem>>, vector<16xf32>,
        tpu.vector_store_idx %arg13[%sub3A_162], %get3A_168 masked %ne3A_165 : memref<16384xf32, #tpu.memory_space<vmem>>[vector<16xi32>], vector<16xf32>, vector<16xi1>
        %get3A_169 = arith.index_cast %scan3A_44 : i32 to index
        %get3A_170 = arith.constant 48 : index
        %get3A_171 = tpu.vector_load %arg11[%get3A_169, %get3A_170] {strides = array<i32>} : memref<128x128xf32, #tpu.memory_space<vmem>>, vector<16xf32>,
        tpu.vector_store_idx %arg14[%sub3A_162], %get3A_171 masked %ne3A_165 : memref<16384xf32, #tpu.memory_space<vmem>>[vector<16xi32>], vector<16xf32>, vector<16xi1>
        %add3A_172 = arith.addi %add3A_159, %reduce_sum3A_106 : i32
        %add3A_173 = vector.broadcast %add3A_172 : i32 to vector<16xi32>
        %add3A_174 = arith.addi %add3A_173, %masked_cumsum3A_82 : vector<16xi32>
        %sub3A_175 = arith.subi %add3A_174, %get3A_59 : vector<16xi32>
        %ne3A_176 = arith.constant 0 : i32
        %ne3A_177 = vector.broadcast %ne3A_176 : i32 to vector<16xi32>
        %ne3A_178 = arith.cmpi ne, %get3A_59, %ne3A_177 : vector<16xi32>
        %get3A_179 = arith.index_cast %scan3A_44 : i32 to index
        %get3A_180 = arith.constant 64 : index
        %get3A_181 = tpu.vector_load %arg10[%get3A_179, %get3A_180] {strides = array<i32>} : memref<128x128xf32, #tpu.memory_space<vmem>>, vector<16xf32>,
        tpu.vector_store_idx %arg13[%sub3A_175], %get3A_181 masked %ne3A_178 : memref<16384xf32, #tpu.memory_space<vmem>>[vector<16xi32>], vector<16xf32>, vector<16xi1>
        %get3A_182 = arith.index_cast %scan3A_44 : i32 to index
        %get3A_183 = arith.constant 64 : index
        %get3A_184 = tpu.vector_load %arg11[%get3A_182, %get3A_183] {strides = array<i32>} : memref<128x128xf32, #tpu.memory_space<vmem>>, vector<16xf32>,
        tpu.vector_store_idx %arg14[%sub3A_175], %get3A_184 masked %ne3A_178 : memref<16384xf32, #tpu.memory_space<vmem>>[vector<16xi32>], vector<16xf32>, vector<16xi1>
        %add3A_185 = arith.addi %add3A_172, %reduce_sum3A_110 : i32
        %add3A_186 = vector.broadcast %add3A_185 : i32 to vector<16xi32>
        %add3A_187 = arith.addi %add3A_186, %masked_cumsum3A_85 : vector<16xi32>
        %sub3A_188 = arith.subi %add3A_187, %get3A_62 : vector<16xi32>
        %ne3A_189 = arith.constant 0 : i32
        %ne3A_190 = vector.broadcast %ne3A_189 : i32 to vector<16xi32>
        %ne3A_191 = arith.cmpi ne, %get3A_62, %ne3A_190 : vector<16xi32>
        %get3A_192 = arith.index_cast %scan3A_44 : i32 to index
        %get3A_193 = arith.constant 80 : index
        %get3A_194 = tpu.vector_load %arg10[%get3A_192, %get3A_193] {strides = array<i32>} : memref<128x128xf32, #tpu.memory_space<vmem>>, vector<16xf32>,
        tpu.vector_store_idx %arg13[%sub3A_188], %get3A_194 masked %ne3A_191 : memref<16384xf32, #tpu.memory_space<vmem>>[vector<16xi32>], vector<16xf32>, vector<16xi1>
        %get3A_195 = arith.index_cast %scan3A_44 : i32 to index
        %get3A_196 = arith.constant 80 : index
        %get3A_197 = tpu.vector_load %arg11[%get3A_195, %get3A_196] {strides = array<i32>} : memref<128x128xf32, #tpu.memory_space<vmem>>, vector<16xf32>,
        tpu.vector_store_idx %arg14[%sub3A_188], %get3A_197 masked %ne3A_191 : memref<16384xf32, #tpu.memory_space<vmem>>[vector<16xi32>], vector<16xf32>, vector<16xi1>
        %add3A_198 = arith.addi %add3A_185, %reduce_sum3A_114 : i32
        %add3A_199 = vector.broadcast %add3A_198 : i32 to vector<16xi32>
        %add3A_200 = arith.addi %add3A_199, %masked_cumsum3A_88 : vector<16xi32>
        %sub3A_201 = arith.subi %add3A_200, %get3A_65 : vector<16xi32>
        %ne3A_202 = arith.constant 0 : i32
        %ne3A_203 = vector.broadcast %ne3A_202 : i32 to vector<16xi32>
        %ne3A_204 = arith.cmpi ne, %get3A_65, %ne3A_203 : vector<16xi32>
        %get3A_205 = arith.index_cast %scan3A_44 : i32 to index
        %get3A_206 = arith.constant 96 : index
        %get3A_207 = tpu.vector_load %arg10[%get3A_205, %get3A_206] {strides = array<i32>} : memref<128x128xf32, #tpu.memory_space<vmem>>, vector<16xf32>,
        tpu.vector_store_idx %arg13[%sub3A_201], %get3A_207 masked %ne3A_204 : memref<16384xf32, #tpu.memory_space<vmem>>[vector<16xi32>], vector<16xf32>, vector<16xi1>
        %get3A_208 = arith.index_cast %scan3A_44 : i32 to index
        %get3A_209 = arith.constant 96 : index
        %get3A_210 = tpu.vector_load %arg11[%get3A_208, %get3A_209] {strides = array<i32>} : memref<128x128xf32, #tpu.memory_space<vmem>>, vector<16xf32>,
        tpu.vector_store_idx %arg14[%sub3A_201], %get3A_210 masked %ne3A_204 : memref<16384xf32, #tpu.memory_space<vmem>>[vector<16xi32>], vector<16xf32>, vector<16xi1>
        %add3A_211 = arith.addi %add3A_198, %reduce_sum3A_118 : i32
        %add3A_212 = vector.broadcast %add3A_211 : i32 to vector<16xi32>
        %add3A_213 = arith.addi %add3A_212, %masked_cumsum3A_91 : vector<16xi32>
        %sub3A_214 = arith.subi %add3A_213, %get3A_68 : vector<16xi32>
        %ne3A_215 = arith.constant 0 : i32
        %ne3A_216 = vector.broadcast %ne3A_215 : i32 to vector<16xi32>
        %ne3A_217 = arith.cmpi ne, %get3A_68, %ne3A_216 : vector<16xi32>
        %get3A_218 = arith.index_cast %scan3A_44 : i32 to index
        %get3A_219 = arith.constant 112 : index
        %get3A_220 = tpu.vector_load %arg10[%get3A_218, %get3A_219] {strides = array<i32>} : memref<128x128xf32, #tpu.memory_space<vmem>>, vector<16xf32>,
        tpu.vector_store_idx %arg13[%sub3A_214], %get3A_220 masked %ne3A_217 : memref<16384xf32, #tpu.memory_space<vmem>>[vector<16xi32>], vector<16xf32>, vector<16xi1>
        %get3A_221 = arith.index_cast %scan3A_44 : i32 to index
        %get3A_222 = arith.constant 112 : index
        %get3A_223 = tpu.vector_load %arg11[%get3A_221, %get3A_222] {strides = array<i32>} : memref<128x128xf32, #tpu.memory_space<vmem>>, vector<16xf32>,
        tpu.vector_store_idx %arg14[%sub3A_214], %get3A_223 masked %ne3A_217 : memref<16384xf32, #tpu.memory_space<vmem>>[vector<16xi32>], vector<16xf32>, vector<16xi1>
        %add3A_224 = arith.addi %add3A_211, %reduce_sum3A_122 : i32
        scf.yield %add3A_224 : i32
      }
      %scan3A_33 = arith.constant 128 : i32
      %broadcast_in_dim3A = arith.constant 0 : i32
      %broadcast_in_dim3A_34 = vector.broadcast %broadcast_in_dim3A : i32 to vector<16xi32>
      %add3A_35 = vector.broadcast %scan3A_32 : i32 to vector<16xi32>
      %add3A_36 = arith.addi %broadcast_in_dim3A_34, %add3A_35 : vector<16xi32>
      %swap3A = arith.constant 0 : index
      %swap3A_37 = tpu.vector_load %arg15[%swap3A] {strides = array<i32>} : memref<16xi32, #tpu.memory_space<vmem>>, vector<16xi32>,
      tpu.vector_store %arg15[%swap3A], %add3A_36 {strides = array<i32>} : memref<16xi32, #tpu.memory_space<vmem>>, vector<16xi32>,
      %mul3A_38 = arith.constant 16384 : i32
      %mul3A_39 = arith.muli %add3A, %mul3A_38 : i32
      "tpu.region"() ({
        %run_scoped3A = tpu.sem_alloc : memref<!tpu.dma_semaphore, #tpu.memory_space<semaphore_mem>>
        %dma_start3A_44 = tpu.memref_slice %arg5[%mul3A_39] : memref<262144xf32, #tpu.memory_space<hbm>> -> memref<16384xf32, #tpu.memory_space<hbm>>
        %dma_start3A_45 = tpu.memref_slice %arg5[%mul3A_39] : memref<262144xf32, #tpu.memory_space<hbm>> -> memref<16384xf32, #tpu.memory_space<hbm>>
        tpu.enqueue_dma source(%arg13 : memref<16384xf32, #tpu.memory_space<vmem>>) target(%dma_start3A_45 : memref<16384xf32, #tpu.memory_space<hbm>>) target_semaphore(%run_scoped3A : memref<!tpu.dma_semaphore, #tpu.memory_space<semaphore_mem>>)
        %dma_wait3A_46 = tpu.memref_slice %arg5[%mul3A_39] : memref<262144xf32, #tpu.memory_space<hbm>> -> memref<16384xf32, #tpu.memory_space<hbm>>
        %dma_wait3A_47 = tpu.memref_slice %arg5[%mul3A_39] : memref<262144xf32, #tpu.memory_space<hbm>> -> memref<16384xf32, #tpu.memory_space<hbm>>
        tpu.wait_dma2 semaphore(%run_scoped3A : memref<!tpu.dma_semaphore, #tpu.memory_space<semaphore_mem>>) src(%arg13 : memref<16384xf32, #tpu.memory_space<vmem>>) dst(%dma_wait3A_47 : memref<16384xf32, #tpu.memory_space<hbm>>)
        tpu.yield
      }) : () -> ()
      %mul3A_40 = arith.constant 16384 : i32
      %mul3A_41 = arith.muli %add3A, %mul3A_40 : i32
      "tpu.region"() ({
        %run_scoped3A = tpu.sem_alloc : memref<!tpu.dma_semaphore, #tpu.memory_space<semaphore_mem>>
        %dma_start3A_44 = tpu.memref_slice %arg6[%mul3A_41] : memref<262144xf32, #tpu.memory_space<hbm>> -> memref<16384xf32, #tpu.memory_space<hbm>>
        %dma_start3A_45 = tpu.memref_slice %arg6[%mul3A_41] : memref<262144xf32, #tpu.memory_space<hbm>> -> memref<16384xf32, #tpu.memory_space<hbm>>
        tpu.enqueue_dma source(%arg14 : memref<16384xf32, #tpu.memory_space<vmem>>) target(%dma_start3A_45 : memref<16384xf32, #tpu.memory_space<hbm>>) target_semaphore(%run_scoped3A : memref<!tpu.dma_semaphore, #tpu.memory_space<semaphore_mem>>)
        %dma_wait3A_46 = tpu.memref_slice %arg6[%mul3A_41] : memref<262144xf32, #tpu.memory_space<hbm>> -> memref<16384xf32, #tpu.memory_space<hbm>>
        %dma_wait3A_47 = tpu.memref_slice %arg6[%mul3A_41] : memref<262144xf32, #tpu.memory_space<hbm>> -> memref<16384xf32, #tpu.memory_space<hbm>>
        tpu.wait_dma2 semaphore(%run_scoped3A : memref<!tpu.dma_semaphore, #tpu.memory_space<semaphore_mem>>) src(%arg14 : memref<16384xf32, #tpu.memory_space<vmem>>) dst(%dma_wait3A_47 : memref<16384xf32, #tpu.memory_space<hbm>>)
        tpu.yield
      }) : () -> ()
      %mul3A_42 = arith.constant 16 : i32
      %mul3A_43 = arith.muli %add3A, %mul3A_42 : i32
      "tpu.region"() ({
        %run_scoped3A = tpu.sem_alloc : memref<!tpu.dma_semaphore, #tpu.memory_space<semaphore_mem>>
        %dma_start3A_44 = tpu.memref_slice %arg7[%mul3A_43] : memref<256xi32, #tpu.memory_space<hbm>> -> memref<16xi32, #tpu.memory_space<hbm>>
        %dma_start3A_45 = tpu.memref_slice %arg7[%mul3A_43] : memref<256xi32, #tpu.memory_space<hbm>> -> memref<16xi32, #tpu.memory_space<hbm>>
        tpu.enqueue_dma source(%arg15 : memref<16xi32, #tpu.memory_space<vmem>>) target(%dma_start3A_45 : memref<16xi32, #tpu.memory_space<hbm>>) target_semaphore(%run_scoped3A : memref<!tpu.dma_semaphore, #tpu.memory_space<semaphore_mem>>)
        %dma_wait3A_46 = tpu.memref_slice %arg7[%mul3A_43] : memref<256xi32, #tpu.memory_space<hbm>> -> memref<16xi32, #tpu.memory_space<hbm>>
        %dma_wait3A_47 = tpu.memref_slice %arg7[%mul3A_43] : memref<256xi32, #tpu.memory_space<hbm>> -> memref<16xi32, #tpu.memory_space<hbm>>
        tpu.wait_dma2 semaphore(%run_scoped3A : memref<!tpu.dma_semaphore, #tpu.memory_space<semaphore_mem>>) src(%arg15 : memref<16xi32, #tpu.memory_space<vmem>>) dst(%dma_wait3A_47 : memref<16xi32, #tpu.memory_space<hbm>>)
        tpu.yield
      }) : () -> ()
    } else {
    }
    return
  }
}

module attributes {stable_mosaic.version = 14 : i64} {
  func.func @_build_body(%arg0: i32, %arg1: memref<256xi32, #tpu.memory_space<smem>>, %arg2: memref<128x128xf32, #tpu.memory_space<vmem>>, %arg3: memref<128x128xf32, #tpu.memory_space<vmem>>, %arg4: memref<1x16384xf32, #tpu.memory_space<vmem>>, %arg5: memref<26x16384xf32, #tpu.memory_space<vmem>>) attributes {dimension_semantics = [#tpu.dimension_semantics<arbitrary>], iteration_bounds = array<i64: 17>, scalar_prefetch = 0 : i64, scratch_operands = 0 : i64, tpu.core_type = #tpu.core_type<tc>, window_params = [{transform_indices = @transform_0, window_bounds = array<i64: 256>}, {transform_indices = @transform_1, window_bounds = array<i64: 128, 128>}, {transform_indices = @transform_2, window_bounds = array<i64: 128, 128>}, {pipeline_mode = #tpu.pipeline_mode<synchronous>, transform_indices = @transform_3, window_bounds = array<i64: 1, 16384>}, {transform_indices = @transform_4, window_bounds = array<i64: 26, 16384>}]} {
    %jit3A = arith.constant 1 : i32
    %div3A = arith.divsi %arg0, %jit3A : i32
    %sign3A = arith.constant 0 : i32
    %sign3A_0 = arith.cmpi sgt, %arg0, %sign3A : i32
    %sign3A_1 = arith.extui %sign3A_0 : i1 to i32
    %sign3A_2 = arith.constant 0 : i32
    %sign3A_3 = arith.cmpi slt, %arg0, %sign3A_2 : i32
    %sign3A_4 = arith.extui %sign3A_3 : i1 to i32
    %sign3A_5 = arith.subi %sign3A_1, %sign3A_4 : i32
    %sign3A_6 = arith.constant 0 : i32
    %sign3A_7 = arith.cmpi sgt, %jit3A, %sign3A_6 : i32
    %sign3A_8 = arith.extui %sign3A_7 : i1 to i32
    %sign3A_9 = arith.constant 0 : i32
    %sign3A_10 = arith.cmpi slt, %jit3A, %sign3A_9 : i32
    %sign3A_11 = arith.extui %sign3A_10 : i1 to i32
    %sign3A_12 = arith.subi %sign3A_8, %sign3A_11 : i32
    %ne3A = arith.cmpi ne, %sign3A_5, %sign3A_12 : i32
    %rem3A = arith.remsi %arg0, %jit3A : i32
    %ne3A_13 = arith.constant 0 : i32
    %ne3A_14 = arith.cmpi ne, %rem3A, %ne3A_13 : i32
    %and3A = arith.andi %ne3A, %ne3A_14 : i1
    %sub3A = arith.constant 1 : i32
    %sub3A_15 = arith.subi %div3A, %sub3A : i32
    %select_n3A = arith.select %and3A, %sub3A_15, %div3A : i32
    %min3A = arith.constant 15 : i32
    %min3A_16 = arith.minsi %select_n3A, %min3A : i32
    %get3A = arith.constant 0 : index
    %get3A_17 = arith.constant 0 : index
    %get3A_18 = vector.load %arg2[%get3A, %get3A_17] : memref<128x128xf32, #tpu.memory_space<vmem>>, vector<128x128xf32>
    %reshape3A = vector.shape_cast %get3A_18 : vector<128x128xf32> to vector<1x16384xf32>
    %get3A_19 = arith.constant 0 : index
    %get3A_20 = arith.constant 0 : index
    %get3A_21 = vector.load %arg3[%get3A_19, %get3A_20] : memref<128x128xf32, #tpu.memory_space<vmem>>, vector<128x128xf32>
    %reshape3A_22 = vector.shape_cast %get3A_21 : vector<128x128xf32> to vector<1x16384xf32>
    %broadcast_in_dim3A = arith.constant 0.000000e+00 : f32
    %broadcast_in_dim3A_23 = vector.broadcast %broadcast_in_dim3A : f32 to vector<26x16384xf32>
    %swap3A = arith.constant 0 : index
    %swap3A_24 = arith.constant 0 : index
    %swap3A_25 = vector.load %arg5[%swap3A, %swap3A_24] : memref<26x16384xf32, #tpu.memory_space<vmem>>, vector<26x16384xf32>
    tpu.vector_store %arg5[%swap3A, %swap3A_24], %broadcast_in_dim3A_23 {strides = array<i32>} : memref<26x16384xf32, #tpu.memory_space<vmem>>, vector<26x16384xf32>,
    %lt3A = arith.constant 16 : i32
    %lt3A_26 = arith.cmpi slt, %arg0, %lt3A : i32
    %convert_element_type3A = arith.extui %lt3A_26 : i1 to i32
    %cond3A = arith.constant 0 : i32
    %cond3A_27 = arith.cmpi ne, %convert_element_type3A, %cond3A : i32
    scf.if %cond3A_27 {
      %mul3A = arith.constant 16 : i32
      %mul3A_32 = arith.muli %min3A_16, %mul3A : i32
      %get3A_33 = arith.index_cast %mul3A_32 : i32 to index
      %get3A_34 = memref.load %arg1[%get3A_33] : memref<256xi32, #tpu.memory_space<smem>>
      %jit3A_35 = arith.constant 1 : i32
      %eq3A_36 = arith.constant 0 : i32
      %eq3A_37 = arith.cmpi eq, %jit3A_35, %eq3A_36 : i32
      %jit3A_38 = arith.constant 1 : i32
      %select_n3A_39 = arith.select %eq3A_37, %jit3A_38, %jit3A_35 : i32
      %rem3A_40 = arith.remsi %arg0, %select_n3A_39 : i32
      %ne3A_41 = arith.constant 0 : i32
      %ne3A_42 = arith.cmpi ne, %rem3A_40, %ne3A_41 : i32
      %lt3A_43 = arith.constant 0 : i32
      %lt3A_44 = arith.cmpi slt, %rem3A_40, %lt3A_43 : i32
      %lt3A_45 = arith.constant 0 : i32
      %lt3A_46 = arith.cmpi slt, %select_n3A_39, %lt3A_45 : i32
      %ne3A_47 = arith.xori %lt3A_44, %lt3A_46 : i1
      %and3A_48 = arith.andi %ne3A_47, %ne3A_42 : i1
      %add3A = arith.addi %rem3A_40, %select_n3A_39 : i32
      %select_n3A_49 = arith.select %and3A_48, %add3A, %rem3A_40 : i32
      %mul3A_50 = arith.constant 16384 : i32
      %mul3A_51 = arith.muli %select_n3A_49, %mul3A_50 : i32
      %iota3A = tpu.iota {dimensions = array<i32: 1>} : vector<1x16384xi32>
      %add3A_52 = vector.broadcast %mul3A_51 : i32 to vector<1x16384xi32>
      %add3A_53 = arith.addi %add3A_52, %iota3A : vector<1x16384xi32>
      %lt3A_54 = vector.broadcast %get3A_34 : i32 to vector<1x16384xi32>
      %lt3A_55 = arith.cmpi slt, %add3A_53, %lt3A_54 : vector<1x16384xi32>
      %jit3A_56 = arith.constant 0.000000e+00 : f32
      %broadcast_in_dim3A_57 = vector.broadcast %jit3A_56 : f32 to vector<1x16384xf32>
      %select_n3A_58 = arith.select %lt3A_55, %reshape3A, %broadcast_in_dim3A_57 : vector<1x16384xi1>, vector<1x16384xf32>
      %swap3A_59 = arith.constant 0 : index
      %swap3A_60 = arith.constant 0 : index
      %swap3A_61 = vector.load %arg5[%swap3A_59, %swap3A_60] : memref<26x16384xf32, #tpu.memory_space<vmem>>, vector<1x16384xf32>
      tpu.vector_store %arg5[%swap3A_59, %swap3A_60], %select_n3A_58 {strides = array<i32>} : memref<26x16384xf32, #tpu.memory_space<vmem>>, vector<1x16384xf32>,
      %jit3A_62 = arith.constant 0.000000e+00 : f32
      %broadcast_in_dim3A_63 = vector.broadcast %jit3A_62 : f32 to vector<1x16384xf32>
      %select_n3A_64 = arith.select %lt3A_55, %reshape3A_22, %broadcast_in_dim3A_63 : vector<1x16384xi1>, vector<1x16384xf32>
      %swap3A_65 = arith.constant 25 : index
      %swap3A_66 = arith.constant 0 : index
      %swap3A_67 = vector.load %arg5[%swap3A_65, %swap3A_66] : memref<26x16384xf32, #tpu.memory_space<vmem>>, vector<1x16384xf32>
      tpu.vector_store %arg5[%swap3A_65, %swap3A_66], %select_n3A_64 {strides = array<i32>} : memref<26x16384xf32, #tpu.memory_space<vmem>>, vector<1x16384xf32>,
      %jit3A_68 = arith.constant 1.000000e+00 : f32
      %jit3A_69 = arith.constant 0.000000e+00 : f32
      %broadcast_in_dim3A_70 = vector.broadcast %jit3A_68 : f32 to vector<1x16384xf32>
      %broadcast_in_dim3A_71 = vector.broadcast %jit3A_69 : f32 to vector<1x16384xf32>
      %select_n3A_72 = arith.select %lt3A_55, %broadcast_in_dim3A_70, %broadcast_in_dim3A_71 : vector<1x16384xi1>, vector<1x16384xf32>
      %add3A_73 = arith.constant 1 : i32
      %add3A_74 = arith.addi %add3A_73, %min3A_16 : i32
      %swap3A_75 = arith.index_cast %add3A_74 : i32 to index
      %swap3A_76 = arith.constant 0 : index
      %swap3A_77 = vector.load %arg5[%swap3A_75, %swap3A_76] : memref<26x16384xf32, #tpu.memory_space<vmem>>, vector<1x16384xf32>
      tpu.vector_store %arg5[%swap3A_75, %swap3A_76], %select_n3A_72 {strides = array<i32>} : memref<26x16384xf32, #tpu.memory_space<vmem>>, vector<1x16384xf32>,
    } else {
    }
    %eq3A = arith.constant 16 : i32
    %eq3A_28 = arith.cmpi eq, %arg0, %eq3A : i32
    %convert_element_type3A_29 = arith.extui %eq3A_28 : i1 to i32
    %cond3A_30 = arith.constant 0 : i32
    %cond3A_31 = arith.cmpi ne, %convert_element_type3A_29, %cond3A_30 : i32
    scf.if %cond3A_31 {
      %iota3A = tpu.iota {dimensions = array<i32: 0>} : vector<26x16384xi32>
      %iota3A_32 = tpu.iota {dimensions = array<i32: 1>} : vector<26x16384xi32>
      %shift_right_logical3A = arith.constant 3 : i32
      %shift_right_logical3A_33 = vector.broadcast %shift_right_logical3A : i32 to vector<26x16384xi32>
      %shift_right_logical3A_34 = arith.shrui %iota3A_32, %shift_right_logical3A_33 : vector<26x16384xi32>
      %add3A = arith.constant 16 : i32
      %add3A_35 = vector.broadcast %add3A : i32 to vector<26x16384xi32>
      %add3A_36 = arith.addi %add3A_35, %shift_right_logical3A_34 : vector<26x16384xi32>
      %eq3A_37 = arith.cmpi eq, %iota3A, %add3A_36 : vector<26x16384xi32>
      %jit3A_38 = arith.constant 1.000000e+00 : f32
      %jit3A_39 = arith.constant 0.000000e+00 : f32
      %broadcast_in_dim3A_40 = vector.broadcast %jit3A_38 : f32 to vector<26x16384xf32>
      %broadcast_in_dim3A_41 = vector.broadcast %jit3A_39 : f32 to vector<26x16384xf32>
      %select_n3A_42 = arith.select %eq3A_37, %broadcast_in_dim3A_40, %broadcast_in_dim3A_41 : vector<26x16384xi1>, vector<26x16384xf32>
      %eq3A_43 = arith.constant 25 : i32
      %eq3A_44 = vector.broadcast %eq3A_43 : i32 to vector<26x16384xi32>
      %eq3A_45 = arith.cmpi eq, %iota3A, %eq3A_44 : vector<26x16384xi32>
      %get3A_46 = arith.constant 0 : index
      %get3A_47 = arith.constant 0 : index
      %get3A_48 = vector.load %arg4[%get3A_46, %get3A_47] : memref<1x16384xf32, #tpu.memory_space<vmem>>, vector<1x16384xf32>
      %add3A_49 = vector.broadcast %get3A_48 : vector<1x16384xf32> to vector<26x16384xf32>
      %add3A_50 = arith.addf %add3A_49, %broadcast_in_dim3A_23 : vector<26x16384xf32>
      %jit3A_51 = arith.constant 0.000000e+00 : f32
      %broadcast_in_dim3A_52 = vector.broadcast %jit3A_51 : f32 to vector<26x16384xf32>
      %select_n3A_53 = arith.select %eq3A_45, %add3A_50, %broadcast_in_dim3A_52 : vector<26x16384xi1>, vector<26x16384xf32>
      %lt3A_54 = arith.constant 64 : i32
      %lt3A_55 = vector.broadcast %lt3A_54 : i32 to vector<26x16384xi32>
      %lt3A_56 = arith.cmpi slt, %iota3A_32, %lt3A_55 : vector<26x16384xi32>
      %add3A_57 = arith.addf %select_n3A_42, %select_n3A_53 : vector<26x16384xf32>
      %jit3A_58 = arith.constant 0.000000e+00 : f32
      %broadcast_in_dim3A_59 = vector.broadcast %jit3A_58 : f32 to vector<26x16384xf32>
      %select_n3A_60 = arith.select %lt3A_56, %add3A_57, %broadcast_in_dim3A_59 : vector<26x16384xi1>, vector<26x16384xf32>
      %swap3A_61 = arith.constant 0 : index
      %swap3A_62 = arith.constant 0 : index
      %swap3A_63 = vector.load %arg5[%swap3A_61, %swap3A_62] : memref<26x16384xf32, #tpu.memory_space<vmem>>, vector<26x16384xf32>
      tpu.vector_store %arg5[%swap3A_61, %swap3A_62], %select_n3A_60 {strides = array<i32>} : memref<26x16384xf32, #tpu.memory_space<vmem>>, vector<26x16384xf32>,
    } else {
    }
    return
  }
  func.func @transform_0(%arg0: i32) -> i32 {
    %c0_i32 = arith.constant 0 : i32
    %c0_i32_0 = arith.constant 0 : i32
    return %c0_i32 : i32
  }
  func.func @transform_1(%arg0: i32) -> (i32, i32) {
    %min3A = arith.constant 15 : i32
    %min3A_0 = arith.minsi %arg0, %min3A : i32
    %c0_i32 = arith.constant 0 : i32
    %c0_i32_1 = arith.constant 0 : i32
    return %min3A_0, %c0_i32 : i32, i32
  }
  func.func @transform_2(%arg0: i32) -> (i32, i32) {
    %min3A = arith.constant 15 : i32
    %min3A_0 = arith.minsi %arg0, %min3A : i32
    %c0_i32 = arith.constant 0 : i32
    %c0_i32_1 = arith.constant 0 : i32
    return %min3A_0, %c0_i32 : i32, i32
  }
  func.func @transform_3(%arg0: i32) -> (i32, i32) {
    %c0_i32 = arith.constant 0 : i32
    %c0_i32_0 = arith.constant 0 : i32
    %c0_i32_1 = arith.constant 0 : i32
    return %c0_i32, %c0_i32_0 : i32, i32
  }
  func.func @transform_4(%arg0: i32) -> (i32, i32) {
    %c0_i32 = arith.constant 0 : i32
    %c0_i32_0 = arith.constant 0 : i32
    return %c0_i32, %arg0 : i32, i32
  }
}

</mosaic_0001>

<sc_bundles>
// kernel: kernel.4.cloned.1.call-start
scs
__scs_entry_jumppad:
0x0: {  	(pc) =	sbr.rel $0x88, $3  }
0x1: {  	(tag) =	ssettag $0x0;
	lr =	simm.s32 $0x1  }
0x2: {  	[smem:$0x3F9D] =	sst lr;
	_ =	strace $0xD0000000  }
0x3: {  	_ = 	snop  }
0x4: {  	_ = 	snop  }
0x5: {  	_ = 	snop  }
0x6: {  	_ = 	snop  }
0x7: {  	_ = 	snop  }
__scs_overlays_trampoline_lowered:
0x8: {  	[smem:$0x3FAC] =	sst s0  }
0x9: {  	[smem:$0x3FAD] =	sst s1  }
0xa: {  	[smem:$0x3FAE] =	sst s2  }
0xb: {  	[smem:$0x3FAF] =	sst s3  }
0xc: {  	[smem:$0x3FB0] =	sst s4  }
0xd: {  	[smem:$0x3FB1] =	sst s5  }
0xe: {  	[smem:$0x3FB2] =	sst s6  }
0xf: {  	[smem:$0x3FB3] =	sst s7  }
0x10: {  	[smem:$0x3FB4] =	sst s8  }
0x11: {  	[smem:$0x3FB5] =	sst s9;
	s0 =	simm.s32 @!p0 $0x0  }
0x12: {  	s1 =	sld [smem:$0x3F9B];
	s0 =	simm.s32 @p0 $0x1  }
0x13: {  	[smem:$0x3FB6] =	sst s0;
	s0 =	simm.s32 @!p1 $0x0  }
0x14: {  	s2 =	sld [smem:$0x3F9A];
	s0 =	simm.s32 @p1 $0x1  }
0x15: {  	[smem:$0x3FB7] =	sst s0;
	s0 =	simm.s32 @!p2 $0x0  }
0x16: {  	s3 =	sld [smem:$0x3FDB];
	s0 =	simm.s32 @p2 $0x1  }
0x17: {  	s4 =	simm.s32 $0x1BF5;
	[smem:$0x3FB9] =	sst s0  }
0x18: {  	s0 =	sld [smem:$0x3F9C];
	_ =	swait.ge [sflag:s4], $0x0  }
0x19: {  	s7 =	sld [smem:$0x3F9D]  }
0x1a: {  	s8 =	sadd.s32 $0xFFFFE003, lr  }
0x1b: {  	s9 =	sadd.s32 $0xFFFFFEF7, lr;
	s5 =	simm.s32 $0xFFFFFFFF;
	p2 =	slt.u32 s8, $0xFFFFF086  }
0x1c: {  	p1 =	slt.u32 s9, $0xF7A;
	s5 =	simm.s32 @!p2 $0x0  }
0x1d: {  	s5 =	simm.s32 @p1 $0x1;
	p0 =	seq.s32 s7, s2  }
0x1e: {  	s7 =	smul.u32 @!p0 $0xF7A, s2;
	p2 =	seq.s32 @!p0 s5, $0x0  }
0x1f: {  	s9 =	smul.u32 $0xF7A, s1;
	s8 =	simm.s32 @!p0 $0x1BF5;
	p2 =	por !p2, p0  }
0x20: {  	[sflag:s8] =	ssyncset.s32 @!p0 $0xFFFFF086;
	s6 =	sadd.s32 @!p0 s3, s7;
	s7 =	simm.s32 @!p0 $0x108  }
0x21: {  	s3 =	sadd.s32 s3, s9;
	s6 =	sadd.s32 @!p0 $0x88, s6;
	s7 =	simm.s32 @p2 $0x1082  }
0x22: {  	[simem:s7], [sflag:s8] =	dma.local @!p0 [hbm:s6], $0xF7A  }
0x23: {  	s9 =	sor.u32 $0xD0000000, s2;
	s6 =	simm.s32 $0x108;
	_ =	swait.ge @!p0 [sflag:s8], $0x0  }
0x24: {  	s3 =	sadd.s32 $0x88, s3;
	s6 =	simm.s32 @!p1 $0x1082;
	[sflag:s4] =	ssyncset.s32 $0xFFFFF086  }
0x25: {  	[simem:s6], [sflag:s4] =	dma.local [hbm:s3], $0xF7A  }
0x26: {  	[smem:$0x3F9D] =	sst s1;
	(tag) =	ssettag s2;
	_ =	strace s9  }
0x27: {  	s1 =	sld [smem:$0x3FAD]  }
0x28: {  	s2 =	sld [smem:$0x3FAE]  }
0x29: {  	s4 =	sld [smem:$0x3FB0]  }
0x2a: {  	p0 =	seq.s32 s5, $0x0;
	s5 =	sld [smem:$0x3FB1]  }
0x2b: {  	s6 =	sld [smem:$0x3FB2]  }
0x2c: {  	s7 =	sld [smem:$0x3FB3]  }
0x2d: {  	s3 =	simm.s32 $0x108;
	s8 =	sld [smem:$0x3FB4]  }
0x2e: {  	s3 =	simm.s32 @!p0 $0x1082;
	s9 =	sld [smem:$0x3FB5]  }
0x2f: {  	lr =	sadd.s32 s0, s3;
	s0 =	sld [smem:$0x3FAC]  }
0x30: {  	s3 =	sld [smem:$0x3FAF]  }
0x31: {  	[smem:$0x3FB8] =	sst s10  }
0x32: {  	s10 =	sld [smem:$0x3FB6];
	_ =	sdelay $0x3  }
0x33: {  	p0 =	seq.s32 s10, $0x1;
	s10 =	sld [smem:$0x3FB8];
	_ =	sdelay $0x3  }
0x34: {  	[smem:$0x3FB8] =	sst s10  }
0x35: {  	s10 =	sld [smem:$0x3FB7];
	_ =	sdelay $0x3  }
0x36: {  	p1 =	seq.s32 s10, $0x1;
	s10 =	sld [smem:$0x3FB8];
	_ =	sdelay $0x3  }
0x37: {  	[smem:$0x3FB8] =	sst s10  }
0x38: {  	s10 =	sld [smem:$0x3FB9]  }
0x39: {  	_ = 	snop;
	(pc) =	sbr.ind lr, $3  }
0x3a: {  	_ = 	snop  }
0x3b: {  	_ = 	snop  }
0x3c: {  	p2 =	seq.s32 s10, $0x1;
	s10 =	sld [smem:$0x3FB8]  }
0x3d: {  	_ =	shalt  }
0x3e: {  	_ =	shalt  }
0x3f: {  	_ =	shalt  }
0x40: {  	_ =	shalt  }
0x41: {  	_ =	shalt  }
0x42: {  	_ =	shalt  }
0x43: {  	_ =	shalt  }
0x44: {  	_ =	shalt  }
0x45: {  	_ =	shalt  }
0x46: {  	_ =	shalt  }
0x47: {  	_ =	shalt  }
0x48: {  	_ =	shalt  }
0x49: {  	_ =	shalt  }
0x4a: {  	_ =	shalt  }
0x4b: {  	_ =	shalt  }
0x4c: {  	_ =	shalt  }
0x4d: {  	_ =	shalt  }
0x4e: {  	_ =	shalt  }
0x4f: {  	_ =	shalt  }
0x50: {  	_ =	shalt  }
0x51: {  	_ =	shalt  }
0x52: {  	_ =	shalt  }
0x53: {  	_ =	shalt  }
0x54: {  	_ =	shalt  }
0x55: {  	_ =	shalt  }
0x56: {  	_ =	shalt  }
0x57: {  	_ =	shalt  }
0x58: {  	_ =	shalt  }
0x59: {  	_ =	shalt  }
0x5a: {  	_ =	shalt  }
0x5b: {  	_ =	shalt  }
0x5c: {  	_ =	shalt  }
0x5d: {  	_ =	shalt  }
0x5e: {  	_ =	shalt  }
0x5f: {  	_ =	shalt  }
0x60: {  	_ =	shalt  }
0x61: {  	_ =	shalt  }
0x62: {  	_ =	shalt  }
0x63: {  	_ =	shalt  }
0x64: {  	_ =	shalt  }
0x65: {  	_ =	shalt  }
0x66: {  	_ =	shalt  }
0x67: {  	_ =	shalt  }
0x68: {  	_ =	shalt  }
0x69: {  	_ =	shalt  }
0x6a: {  	_ =	shalt  }
0x6b: {  	_ =	shalt  }
0x6c: {  	_ =	shalt  }
0x6d: {  	_ =	shalt  }
0x6e: {  	_ =	shalt  }
0x6f: {  	_ =	shalt  }
0x70: {  	_ =	shalt  }
0x71: {  	_ =	shalt  }
0x72: {  	_ =	shalt  }
0x73: {  	_ =	shalt  }
0x74: {  	_ =	shalt  }
0x75: {  	_ =	shalt  }
0x76: {  	_ =	shalt  }
0x77: {  	_ =	shalt  }
0x78: {  	_ =	shalt  }
0x79: {  	_ =	shalt  }
0x7a: {  	_ =	shalt  }
0x7b: {  	_ =	shalt  }
0x7c: {  	_ =	shalt  }
0x7d: {  	_ =	shalt  }
0x7e: {  	_ =	shalt  }
0x7f: {  	_ =	shalt  }
0x80: {  	_ =	shalt  }
0x81: {  	_ =	shalt  }
0x82: {  	_ =	shalt  }
0x83: {  	_ =	shalt  }
0x84: {  	_ =	shalt  }
0x85: {  	_ =	shalt  }
0x86: {  	_ =	shalt  }
0x87: {  	_ =	shalt  }
.Lfunc_end0:
.L_simem_size_0:
called_computation_lowered:
.L_overlay_start_0:
0x88: {  	s2 =	sld [smem:$0x3FD9]  }
0x89: {  	s3 =	sld [smem:$0x3FFE];
	_ =	sdelay $0x1  }
0x8a: {  	s1 =	srdreg.scid  }
0x8b: {  	s0 =	sand.u32 $0x1, s1  }
0x8c: {  	s17 =	sshll.u32 s0, $0xA;
	s2 =	sadd.s32 s3, s2  }
0x8d: {  	s2 =	sadd.s32 s2, s17  }
0x8e: {  	[smem:$0x3FC4] =	sst s2  }
0x8f: {  	_ = 	snop  }
0x90: {  	s2 =	sld [smem:$0x3FC8]  }
0x91: {  	s18 =	sld [smem:$0x3FC7]  }
0x92: {  	s4 =	sld [smem:$0x3FD0];
	(tm) =	ssettm $0x1  }
0x93: {  	s5 =	sld [smem:$0x3FFB];
	_ =	sdelay $0x3  }
0x94: {  	_ =	strace s5  }
0x95: {  	s5 =	sld [smem:$0x3FFC];
	_ =	sdelay $0x3  }
0x96: {  	_ =	strace s5  }
0x97: {  	s5 =	sld [smem:$0x3FFD];
	_ =	sdelay $0x3  }
0x98: {  	_ =	strace s5  }
0x99: {  	_ =	strace $0x8FFFFFFF  }
0x9a: {  	s19 =	sld [smem:$0x3FDB];
	_ =	sdelay $0x1  }
0x9b: {  	s6 =	simm.s32 $_scs_section_size  }
0x9c: {  	s7 =	simm.s32 $_size__tile_overlayer_lowered;
	s8 =	simm.s32 $_tile_overlayer_lowered  }
0x9d: {  	s22 =	simm.s32 $0x1BFF;
	s21 =	sshll.u32 s8, $0x1;
	s5 =	sadd.s32 s6, s19  }
0x9e: {  	s9 =	simm.s32 $0x0;
	s20 =	sshll.u32 s7, $0x1;
	s7 =	sadd.s32 s21, s5  }
0x9f: {  	[timem:s9], [sflag:s22] =	dma.local [hbm:s7], s20  }
0xa0: {  	_ =	swait.ge [sflag:s22], s20  }
0xa1: {  	s6 =	ssub.s32 $0x0, s20;
	[sflag:s22] =	ssyncset.done $0x0  }
0xa2: {  	[sflag:s22] =	ssyncadd.s32 s6;
	_ =	sdelay $0x1  }
0xa3: {  	s23 =	simm.s32 $0x1B8B  }
0xa4: {  	_ =	swait.ge [sflag:s23], $0x1  }
0xa5: {  	[sflag:s23] =	ssyncset.done $0x0  }
0xa6: {  	s25 =	simm.s32 $0x1B8E;
	s24 =	sld [smem:$0x3FFE];
	[sflag:s23] =	ssyncadd.s32 $0xFFFFFFFF  }
0xa7: {  	s26 =	simm.s32 $execute0_lowered;
	[smem:$0x3FD2] =	sst s25  }
0xa8: {  	s7 =	sshll.u32 s26, $0x1;
	_ =	strace $0x80000046;
	[dreg:$0x1] =	wrdreg $0xFFFFFFFF  }
0xa9: {  	s28 =	simm.s32 $_size_execute0_lowered;
	s5 =	sadd.s32 s5, s7;
	[dreg:$0x0] =	wrdreg $0x0  }
0xaa: {  	s7 =	sshll.u32 s28, $0x1;
	[dreg:$0x2] =	wrdreg s5  }
0xab: {  	[dreg:$0x3] =	wrdreg s7  }
0xac: {  	[dreg:$0x4] =	wrdreg $0xC0  }
0xad: {  	_ =	task [dreg:s9], $0x5FFFF  }
0xae: {  	[dreg:$0x1] =	wrdreg $0xFFFFFFFF  }
0xaf: {  	[dreg:$0x0] =	wrdreg $0x60  }
0xb0: {  	[dreg:$0x2] =	wrdreg s2  }
0xb1: {  	[dreg:$0x3] =	wrdreg s18  }
0xb2: {  	[dreg:$0x4] =	wrdreg s4  }
0xb3: {  	[dreg:$0x5] =	wrdreg s24  }
0xb4: {  	[dreg:$0x6] =	wrdreg $0x9  }
0xb5: {  	_ =	task.clear_ibuf [dreg:s9], $0x7FFFF;
	_ =	strace $0x90000046  }
0xb6: {  	s29 =	simm.s32 $0x9;
	_ =	strace $0x80000048  }
0xb7: {  	_ =	swait.ge [sflag:s29], $0x1  }
0xb8: {  	[sflag:s29] =	ssyncadd.s32 $0xFFFFFFFF  }
0xb9: {  	_ =	strace $0x90000048  }
0xba: {  	_ =	sfence  }
0xbb: {  	s30 =	sld [smem:$0x0];
	_ =	sdelay $0x2  }
0xbc: {  	s31 =	sshll.u32 s1, $0xD;
	s1 =	sshrl.u32 s1, $0x2  }
0xbd: {  	s3 =	sand.u32 $0x4000, s31;
	s1 =	sadd.s32 s1, s30  }
0xbe: {  	s0 =	sor.u32 s3, s0;
	s1 =	sshll.u32 s1, $0x11  }
0xbf: {  	s0 =	sor.u32 s1, s0  }
0xc0: {  	s0 =	sadd.s32 $0x8F2B, s0  }
0xc1: {  	[sflag:s0] =	ssyncadd.remote.s32 $0x1  }
0xc2: {  	_ =	sfence.sel $0xFFFF  }
0xc3: {  	[dreg:$0x0] =	wrdreg $0xFFFFFFFF;
	(pc) =	sbr.abs _section_cstart, $3  }
0xc4: {  	[dreg:$0x1] =	wrdreg $0xFFFFFFFF  }
0xc5: {  	_ =	task.clear_ibuf [dreg:s9], $0x2FFFF;
	_ =	strace $0x9FFFFFFF  }
0xc6: {  	(tm) =	ssettm $0x7FFFFFFF  }
0xc7: {  	_ =	shalt  }
tec
execute0_lowered:
.L_overlay_start_1:
0x0: {  	(tag) =	ssettag $0x1  }
0x1: {  	s3 =	stileid.u32  }
0x2: {  	s1 =	rddreg [dreg:$0x0];
	p0 =	sgt.u32 s3, $0x7  }
.Ltmp0:
0x3: {  	s2 =	rddreg [dreg:$0x1];
	(pc) =	sbr.rel @p0 .LBB2_7-.Ltmp0, $4  }
0x4: {  	s4 =	rddreg [dreg:$0x2]  }
0x5: {  	s6 =	rddreg [dreg:$0x3];
	s5 =	simm.s32 $0x0  }
0x6: {  	[smem:$0x7FF] =	sst s5  }
0x7: {  	s0 =	rddreg [dreg:$0x4];
	_ =	strace $0x80000047  }
0x8: {  	s7 =	srdreg.scid  }
0x9: {  	s8 =	sshll.u32 s3, $0x1;
	s29 =	sshll.u32 s3, $0x5;
	s12 =	simm.s32 $0x1  }
0xa: {  	s13 =	simm.s32 $0x8100;
	s14 =	simm.s32 $0x100;
	s15 =	simm.s32 $0xC100  }
0xb: {  	s16 =	simm.s32 $0x10100;
	s19 =	simm.s32 $0x0;
	s7 =	sand.u32 $0x1, s7  }
0xc: {  	s18 =	sand.u32 $0x80, s29;
	s8 =	sor.u32 s7, s8;
	s11 =	ssub.s32 $0x2, s7  }
0xd: {  	v0 =	vmov s18;
	s18 =	simm.s32 $0x14100;
	s9 =	sshll.u32 s8, $0xB;
	s10 =	sshll.u32 s8, $0x1  }
0xe: {  	s17 =	sand.u32 $0x7, s8;
	s30 =	sshrl.u32 s11, $0x1;
	s9 =	sadd.s32 s9, s6  }
0xf: {  	s10 =	sadd.s32 s10, s6;
	s31 =	ssub.s32 s11, s30;
	s11 =	simm.s32 $0x4100  }
0x10: {  	v2 =	vlaneseq.u32;
	v1 =	vmov s17;
	s17 =	simm.s32 $0x2;
	s6 =	sadd.s32 $0xE00, s9;
	s7 =	sadd.s32 $0x8E00, s9  }
0x11: {  	v2 =	vmul.u32 $0x8, v2;
	s8 =	sadd.s32 $0x10E00, s10;
	s9 =	smax.u32 s31, $0x1;
	s10 =	simm.s32 $0x80  }
.LBB2_2:
0x12: {  	s20 =	simm.s32 $0x0  }
0x13: {  	v3 =	vmov s20  }
0x14: {  	v4 =	vshrl.u32 v3, $0x4  }
0x15: {  	v3 =	vshll.u32 v4, $0x8  }
0x16: {  	s21 =	simm.s32 $0x10;
	v3 =	vor.u32 v0, v3  }
0x17: {  	v5 =	vmov s21;
	v3 =	vor.u32 v1, v3  }
0x18: {  	v6 =	vbroadcast v3, $0x0;
	v3 =	vshrl.u32 v5, $0x4  }
0x19: {  	v4 =	vbroadcast v4, $0x0;
	v5 =	vshll.u32 v3, $0x8  }
0x1a: {  	v6 =	vor.u32 v2, v6;
	v5 =	vor.u32 v0, v5  }
0x1b: {  	v4 =	vor.u32 v2, v4;
	[tilespmem:s20+$0x0] =	vst v6;
	v5 =	vor.u32 v1, v5  }
0x1c: {  	s22 =	simm.s32 $0x20;
	s21 =	simm.s32 $0x80;
	[tilespmem:s10+$0x0] =	vst v4;
	v4 =	vbroadcast v5, $0x0  }
.LBB2_3:
0x1d: {  	v5 =	vmov s22;
	v6 =	vbroadcast v3, $0x0;
	p0 =	sne.s32 s22, $0x70  }
.Ltmp1:
0x1e: {  	s22 =	sadd.s32 $0x10, s22;
	s20 =	sadd.s32 $0x10, s20;
	v3 =	vshrl.u32 v5, $0x4;
	v4 =	vor.u32 v2, v4;
	(pc) =	sbr.rel @p0 .LBB2_3-.Ltmp1, $4  }
0x1f: {  	s21 =	sadd.s32 $0x10, s21;
	v5 =	vshll.u32 v3, $0x8;
	[tilespmem:s20+$0x0] =	vst v4;
	v4 =	vor.u32 v2, v6  }
0x20: {  	v5 =	vor.u32 v0, v5;
	[tilespmem:s21+$0x0] =	vst v4  }
0x21: {  	v4 =	vor.u32 v1, v5  }
0x22: {  	v4 =	vbroadcast v4, $0x0  }
0x23: {  	v3 =	vbroadcast v3, $0x0  }
0x24: {  	s20 =	sadd.s32 $0x10, s20;
	v4 =	vor.u32 v2, v4  }
0x25: {  	s22 =	sadd.s32 $0x10, s21;
	[tilespmem:s20+$0x0] =	vst v4;
	v3 =	vor.u32 v2, v3  }
0x26: {  	s23 =	simm.s32 $0x0;
	[tilespmem:s22+$0x0] =	vst v3  }
0x27: {  	[tilespmem:s11], [sflag:$0x1] =	stream.indirect.gather [hbm4b:s2+s10], $0x80, s23, s10, $0xb8;
	[tilespmem:$0x14180] =	vst v63  }
0x28: {  	_ =	swait.ge [sflag:s12], $0x4000  }
0x29: {  	[sflag:s12] =	ssyncset.done $0x0  }
0x2a: {  	[sflag:s12] =	ssyncadd.s32 $0xFFFFC000  }
0x2b: {  	[tilespmem:s13], [sflag:$0x1] =	stream.indirect.gather [hbm4b:s4+s10], $0x80, s23, s10, $0xb8;
	[tilespmem:$0x14180] =	vst v63  }
0x2c: {  	_ =	swait.ge [sflag:s12], $0x4000  }
0x2d: {  	[sflag:s12] =	ssyncset.done $0x0  }
0x2e: {  	[sflag:s12] =	ssyncadd.s32 $0xFFFFC000  }
0x2f: {  	[tilespmem:s14], [sflag:$0x1] =	stream.indirect.gather [hbm4b:s1+s10], $0x80, s10, s10, $0xb8;
	[tilespmem:$0x14180] =	vst v63  }
0x30: {  	_ =	swait.ge [sflag:s12], $0x4000  }
0x31: {  	[sflag:s12] =	ssyncset.done $0x0  }
0x32: {  	s22 =	simm.s32 $0x0;
	[sflag:s12] =	ssyncadd.s32 $0xFFFFC000  }
0x33: {  	v3 =	vld [tilespmem:s22+$0x8100];
	_ =	sdelay $0x4  }
0x34: {  	(xrf0) =	vadd.scan.msk.s32 $0xffff, v3;
	_ =	sdelay $0x5  }
0x35: {  	v4, _, _ =	vpop (xrf0)  }
0x36: {  	v5 =	vld [tilespmem:s22+$0x8110];
	(v2sf) =	vpush v4, $0xF;
	_ =	sdelay $0x3  }
0x37: {  	v6 =	vld [tilespmem:s22+$0x8170];
	v7 =	vsub.s32 s23, v3;
	vm0 =	vne.s32 v3, $0x0  }
0x38: {  	(xrf0) =	vadd.scan.msk.s32 $0xffff, v5;
	v3 =	vadd.s32 v4, v7;
	v4 =	vld [tilespmem:s22+$0x100]  }
0x39: {  	v8 =	vld [tilespmem:s22+$0x8160]  }
0x3a: {  	v9 =	vld [tilespmem:s22+$0x8140]  }
0x3b: {  	v10 =	vld [tilespmem:s22+$0x8130]  }
0x3c: {  	v11 =	vld [tilespmem:s22+$0x8120]  }
0x3d: {  	v7 =	vld [tilespmem:s22+$0x8150];
	[tilespmem:v3+s15+$0x0] =	vst.idx.msk vm0, v4  }
0x3e: {  	v4, _, _ =	vpop (xrf0);
	v12 =	vld [tilespmem:s22+$0x4100]  }
0x3f: {  	(v2sf) =	vpush v4, $0xF  }
0x40: {  	(xrf0) =	vadd.scan.msk.s32 $0xffff, v6  }
0x41: {  	(xrf0) =	vadd.scan.msk.s32 $0xffff, v8  }
0x42: {  	(xrf0) =	vadd.scan.msk.s32 $0xffff, v7;
	s24 =	spop (v2sf)  }
0x43: {  	v4 =	vsub.s32 v4, v5;
	(xrf0) =	vadd.scan.msk.s32 $0xffff, v10;
	[tilespmem:v3+s16+$0x0] =	vst.idx.msk vm0, v12;
	vm0 =	vne.s32 v5, $0x0;
	s20 =	sadd.s32 $0x0, s24  }
0x44: {  	(xrf0) =	vadd.scan.msk.s32 $0xffff, v11;
	v3 =	vadd.s32 s20, v4;
	v4 =	vld [tilespmem:s22+$0x110];
	_ =	sdelay $0x1  }
0x45: {  	v5, _, _ =	vpop (xrf0)  }
0x46: {  	v60, _, _ =	vpop (xrf0)  }
0x47: {  	v13, _, _ =	vpop (xrf0)  }
0x48: {  	v14, _, _ =	vpop (xrf0);
	[tilespmem:v3+s15+$0x0] =	vst.idx.msk vm0, v4  }
0x49: {  	(v2sf) =	vpush v14, $0xF;
	v4, _, _ =	vpop (xrf0);
	v15 =	vld [tilespmem:s22+$0x4110]  }
0x4a: {  	(v2sf) =	vpush v4, $0xF;
	_ =	sdelay $0x2  }
0x4b: {  	s25 =	spop (v2sf)  }
0x4c: {  	s20 =	sadd.s32 s25, s20;
	v4 =	vsub.s32 v4, v11;
	[tilespmem:v3+s16+$0x0] =	vst.idx.msk vm0, v15;
	vm0 =	vne.s32 v11, $0x0  }
0x4d: {  	v3 =	vadd.s32 s20, v4;
	v4 =	vld [tilespmem:s22+$0x120];
	_ =	sdelay $0x4  }
0x4e: {  	[tilespmem:v3+s15+$0x0] =	vst.idx.msk vm0, v4  }
0x4f: {  	v4 =	vld [tilespmem:s22+$0x4120];
	_ =	sdelay $0x2  }
0x50: {  	s26 =	spop (v2sf)  }
0x51: {  	s23 =	spop (v2sf)  }
0x52: {  	v61 =	vsub.s32 v14, v10;
	s20 =	sadd.s32 s23, s20;
	[tilespmem:v3+s16+$0x0] =	vst.idx.msk vm0, v4;
	vm0 =	vne.s32 v10, $0x0  }
0x53: {  	(xrf0) =	vadd.scan.msk.s32 $0xffff, v9;
	v3 =	vadd.s32 s20, v61;
	v4 =	vld [tilespmem:s22+$0x130];
	_ =	sdelay $0x4  }
0x54: {  	[tilespmem:v3+s15+$0x0] =	vst.idx.msk vm0, v4  }
0x55: {  	v4, _, _ =	vpop (xrf0);
	v62 =	vld [tilespmem:s22+$0x4130]  }
0x56: {  	(v2sf) =	vpush v4, $0xF;
	_ =	sdelay $0x3  }
0x57: {  	s20 =	sadd.s32 s26, s20;
	[tilespmem:v3+s16+$0x0] =	vst.idx.msk vm0, v62;
	v3 =	vsub.s32 v4, v9;
	vm0 =	vne.s32 v9, $0x0  }
0x58: {  	v3 =	vadd.s32 s20, v3;
	v4 =	vld [tilespmem:s22+$0x140];
	_ =	sdelay $0x4  }
0x59: {  	[tilespmem:v3+s15+$0x0] =	vst.idx.msk vm0, v4  }
0x5a: {  	v4 =	vld [tilespmem:s22+$0x4140]  }
0x5b: {  	(v2sf) =	vpush v13, $0xF;
	_ =	sdelay $0x2  }
0x5c: {  	s28 =	spop (v2sf)  }
0x5d: {  	v63 =	vsub.s32 v13, v7;
	s20 =	sadd.s32 s28, s20;
	[tilespmem:v3+s16+$0x0] =	vst.idx.msk vm0, v4;
	vm0 =	vne.s32 v7, $0x0  }
0x5e: {  	v3 =	vadd.s32 s20, v63;
	v4 =	vld [tilespmem:s22+$0x150];
	_ =	sdelay $0x4  }
0x5f: {  	[tilespmem:v3+s15+$0x0] =	vst.idx.msk vm0, v4  }
0x60: {  	v4 =	vld [tilespmem:s22+$0x4150]  }
0x61: {  	(v2sf) =	vpush v60, $0xF;
	_ =	sdelay $0x2  }
0x62: {  	s29 =	spop (v2sf)  }
0x63: {  	v7 =	vsub.s32 v60, v8;
	s20 =	sadd.s32 s29, s20;
	[tilespmem:v3+s16+$0x0] =	vst.idx.msk vm0, v4;
	vm0 =	vne.s32 v8, $0x0  }
0x64: {  	v3 =	vadd.s32 s20, v7;
	v4 =	vld [tilespmem:s22+$0x160];
	_ =	sdelay $0x1  }
0x65: {  	(v2sf) =	vpush v5, $0xF;
	_ =	sdelay $0x2  }
0x66: {  	[tilespmem:v3+s15+$0x0] =	vst.idx.msk vm0, v4  }
0x67: {  	v4 =	vld [tilespmem:s22+$0x4160];
	_ =	sdelay $0x3  }
0x68: {  	s30 =	spop (v2sf)  }
0x69: {  	v5 =	vsub.s32 v5, v6;
	s31 =	sadd.s32 s30, s20;
	[tilespmem:v3+s16+$0x0] =	vst.idx.msk vm0, v4;
	vm0 =	vne.s32 v6, $0x0  }
0x6a: {  	v3 =	vadd.s32 s31, v5;
	v4 =	vld [tilespmem:s22+$0x170];
	_ =	sdelay $0x4  }
0x6b: {  	s24 =	spop (v2sf);
	[tilespmem:v3+s15+$0x0] =	vst.idx.msk vm0, v4  }
0x6c: {  	s21 =	simm.s32 $0x400;
	s20 =	simm.s32 $0x200;
	s23 =	sadd.s32 s24, s31;
	v4 =	vld [tilespmem:s22+$0x4170]  }
.LBB2_5:
0x6d: {  	_ =	sdelay $0x2  }
0x6e: {  	p0 =	sne.s32 s21, $0xFE00  }
0x6f: {  	s22 =	sshra.s32 s20, $0x2;
	s20 =	smov.u32 s21;
	s21 =	sadd.s32 $0x200, s21;
	[tilespmem:v3+s16+$0x0] =	vst.idx.msk vm0, v4  }
0x70: {  	v5 =	vld [tilespmem:s22+$0x8100]  }
0x71: {  	v7 =	vld [tilespmem:s22+$0x8110];
	_ =	sdelay $0x3  }
0x72: {  	(xrf0) =	vadd.scan.msk.s32 $0xffff, v5  }
0x73: {  	(xrf0) =	vadd.scan.msk.s32 $0xffff, v7;
	_ =	sdelay $0x4  }
0x74: {  	v6 =	vsub.s32 s23, v5;
	v4, _, _ =	vpop (xrf0)  }
0x75: {  	v8 =	vadd.s32 v4, v6;
	v3, _, _ =	vpop (xrf0);
	(v2sf) =	vpush v4, $0xF  }
0x76: {  	v9 =	vsub.s32 v3, v7;
	(v2sf) =	vpush v3, $0xF;
	_ =	sdelay $0x1  }
0x77: {  	v3 =	vld [tilespmem:s22+$0x8170]  }
0x78: {  	vm0 =	vne.s32 v5, $0x0;
	v4 =	vld [tilespmem:s22+$0x8160]  }
0x79: {  	v5 =	vld [tilespmem:s22+$0x100]  }
0x7a: {  	v6 =	vld [tilespmem:s22+$0x8150]  }
0x7b: {  	v10 =	vld [tilespmem:s22+$0x8140]  }
0x7c: {  	v11 =	vld [tilespmem:s22+$0x8130];
	(xrf0) =	vadd.scan.msk.s32 $0xffff, v3  }
0x7d: {  	v12 =	vld [tilespmem:s22+$0x8120];
	(xrf0) =	vadd.scan.msk.s32 $0xffff, v4  }
0x7e: {  	[tilespmem:v8+s15+$0x0] =	vst.idx.msk vm0, v5  }
0x7f: {  	v13 =	vld [tilespmem:s22+$0x4100];
	(xrf0) =	vadd.scan.msk.s32 $0xffff, v6;
	_ =	sdelay $0x1  }
0x80: {  	(xrf0) =	vadd.scan.msk.s32 $0xffff, v11  }
0x81: {  	(xrf0) =	vadd.scan.msk.s32 $0xffff, v12;
	v14, _, _ =	vpop (xrf0)  }
0x82: {  	v5 =	vsub.s32 v14, v3;
	v15, _, _ =	vpop (xrf0);
	s24 =	spop (v2sf)  }
0x83: {  	[tilespmem:v8+s16+$0x0] =	vst.idx.msk vm0, v13;
	s23 =	sadd.s32 s23, s24;
	vm0 =	vne.s32 v7, $0x0;
	v7 =	vsub.s32 v15, v4;
	(xrf0) =	vadd.scan.msk.s32 $0xffff, v10;
	s24 =	spop (v2sf)  }
0x84: {  	v8 =	vadd.s32 s23, v9;
	v9 =	vld [tilespmem:s22+$0x110];
	s23 =	sadd.s32 s24, s23;
	v13, _, _ =	vpop (xrf0)  }
0x85: {  	v16 =	vsub.s32 v13, v6  }
0x86: {  	v17, _, _ =	vpop (xrf0)  }
0x87: {  	v18 =	vsub.s32 v17, v11;
	v19, _, _ =	vpop (xrf0);
	(v2sf) =	vpush v17, $0xF  }
0x88: {  	v17 =	vsub.s32 v19, v12;
	(v2sf) =	vpush v19, $0xF  }
0x89: {  	[tilespmem:v8+s15+$0x0] =	vst.idx.msk vm0, v9;
	v9, _, _ =	vpop (xrf0)  }
0x8a: {  	v19 =	vld [tilespmem:s22+$0x4110];
	(v2sf) =	vpush v9, $0xF  }
0x8b: {  	(v2sf) =	vpush v13, $0xF  }
0x8c: {  	(v2sf) =	vpush v15, $0xF  }
0x8d: {  	(v2sf) =	vpush v14, $0xF;
	_ =	sdelay $0x1  }
0x8e: {  	[tilespmem:v8+s16+$0x0] =	vst.idx.msk vm0, v19;
	vm0 =	vne.s32 v12, $0x0  }
0x8f: {  	v8 =	vadd.s32 s23, v17;
	v12 =	vld [tilespmem:s22+$0x120];
	_ =	sdelay $0x4  }
0x90: {  	[tilespmem:v8+s15+$0x0] =	vst.idx.msk vm0, v12  }
0x91: {  	v12 =	vld [tilespmem:s22+$0x4120];
	s24 =	spop (v2sf)  }
0x92: {  	s25 =	spop (v2sf)  }
0x93: {  	s23 =	sadd.s32 s25, s23  }
0x94: {  	s25 =	sadd.s32 s24, s23;
	s24 =	spop (v2sf)  }
0x95: {  	s26 =	sadd.s32 s24, s25;
	s24 =	spop (v2sf)  }
0x96: {  	[tilespmem:v8+s16+$0x0] =	vst.idx.msk vm0, v12;
	vm0 =	vne.s32 v11, $0x0;
	s28 =	sadd.s32 s24, s26;
	s24 =	spop (v2sf)  }
0x97: {  	v8 =	vadd.s32 s23, v18;
	v11 =	vld [tilespmem:s22+$0x130];
	s24 =	sadd.s32 s24, s28;
	s23 =	spop (v2sf)  }
0x98: {  	s23 =	sadd.s32 s23, s24;
	_ =	sdelay $0x3  }
0x99: {  	[tilespmem:v8+s15+$0x0] =	vst.idx.msk vm0, v11  }
0x9a: {  	v11 =	vld [tilespmem:s22+$0x4130];
	_ =	sdelay $0x4  }
0x9b: {  	[tilespmem:v8+s16+$0x0] =	vst.idx.msk vm0, v11;
	v8 =	vsub.s32 v9, v10;
	vm0 =	vne.s32 v10, $0x0  }
0x9c: {  	v8 =	vadd.s32 s25, v8;
	v9 =	vld [tilespmem:s22+$0x140];
	_ =	sdelay $0x4  }
0x9d: {  	[tilespmem:v8+s15+$0x0] =	vst.idx.msk vm0, v9  }
0x9e: {  	v9 =	vld [tilespmem:s22+$0x4140];
	_ =	sdelay $0x4  }
0x9f: {  	[tilespmem:v8+s16+$0x0] =	vst.idx.msk vm0, v9;
	vm0 =	vne.s32 v6, $0x0  }
0xa0: {  	v6 =	vadd.s32 s26, v16;
	v8 =	vld [tilespmem:s22+$0x150];
	_ =	sdelay $0x4  }
0xa1: {  	[tilespmem:v6+s15+$0x0] =	vst.idx.msk vm0, v8  }
0xa2: {  	v8 =	vld [tilespmem:s22+$0x4150];
	_ =	sdelay $0x4  }
0xa3: {  	[tilespmem:v6+s16+$0x0] =	vst.idx.msk vm0, v8;
	vm0 =	vne.s32 v4, $0x0  }
0xa4: {  	v4 =	vadd.s32 s28, v7;
	v6 =	vld [tilespmem:s22+$0x160];
	_ =	sdelay $0x4  }
0xa5: {  	[tilespmem:v4+s15+$0x0] =	vst.idx.msk vm0, v6  }
0xa6: {  	v6 =	vld [tilespmem:s22+$0x4160];
	_ =	sdelay $0x4  }
0xa7: {  	[tilespmem:v4+s16+$0x0] =	vst.idx.msk vm0, v6;
	vm0 =	vne.s32 v3, $0x0  }
0xa8: {  	v3 =	vadd.s32 s24, v5;
	v4 =	vld [tilespmem:s22+$0x170];
	_ =	sdelay $0x1  }
.Ltmp2:
0xa9: {  	(pc) =	sbr.rel @p0 .LBB2_5-.Ltmp2, $3  }
0xaa: {  	_ =	sdelay $0x1  }
0xab: {  	[tilespmem:v3+s15+$0x0] =	vst.idx.msk vm0, v4  }
0xac: {  	v4 =	vld [tilespmem:s22+$0x4170]  }
0xad: {  	_ =	sdelay $0x4  }
0xae: {  	s20 =	sshra.s32 s20, $0x2;
	[tilespmem:v3+s16+$0x0] =	vst.idx.msk vm0, v4  }
0xaf: {  	v3 =	vld [tilespmem:s20+$0x8100];
	_ =	sdelay $0x4  }
0xb0: {  	(xrf0) =	vadd.scan.msk.s32 $0xffff, v3;
	_ =	sdelay $0x5  }
0xb1: {  	v49, _, _ =	vpop (xrf0)  }
0xb2: {  	v5 =	vld [tilespmem:s20+$0x8110];
	(v2sf) =	vpush v49, $0xF;
	_ =	sdelay $0x3  }
0xb3: {  	v6 =	vld [tilespmem:s20+$0x8170];
	v7 =	vsub.s32 s23, v3;
	vm8 =	vne.s32 v3, $0x0  }
0xb4: {  	v50 =	vld [tilespmem:s20+$0x100];
	(xrf0) =	vadd.scan.msk.s32 $0xffff, v5;
	v3 =	vadd.s32 v49, v7  }
0xb5: {  	v8 =	vld [tilespmem:s20+$0x8160]  }
0xb6: {  	v51 =	vld [tilespmem:s20+$0x8150]  }
0xb7: {  	v9 =	vld [tilespmem:s20+$0x8140]  }
0xb8: {  	v10 =	vld [tilespmem:s20+$0x8130]  }
0xb9: {  	v11 =	vld [tilespmem:s20+$0x8120];
	[tilespmem:v3+s15+$0x0] =	vst.idx.msk vm8, v50  }
0xba: {  	v52, _, _ =	vpop (xrf0);
	v12 =	vld [tilespmem:s20+$0x4100]  }
0xbb: {  	(v2sf) =	vpush v52, $0xF  }
0xbc: {  	(xrf0) =	vadd.scan.msk.s32 $0xffff, v6  }
0xbd: {  	(xrf0) =	vadd.scan.msk.s32 $0xffff, v8  }
0xbe: {  	(xrf0) =	vadd.scan.msk.s32 $0xffff, v51;
	s21 =	spop (v2sf)  }
0xbf: {  	vm9 =	vne.s32 v5, $0x0;
	v4 =	vsub.s32 v52, v5;
	(xrf0) =	vadd.scan.msk.s32 $0xffff, v10;
	[tilespmem:v3+s16+$0x0] =	vst.idx.msk vm8, v12;
	s21 =	sadd.s32 s23, s21  }
0xc0: {  	(xrf0) =	vadd.scan.msk.s32 $0xffff, v11;
	v53 =	vld [tilespmem:s20+$0x110];
	v3 =	vadd.s32 s21, v4;
	_ =	sdelay $0x1  }
0xc1: {  	v54, _, _ =	vpop (xrf0)  }
0xc2: {  	v55, _, _ =	vpop (xrf0)  }
0xc3: {  	v13, _, _ =	vpop (xrf0)  }
0xc4: {  	v14, _, _ =	vpop (xrf0);
	[tilespmem:v3+s15+$0x0] =	vst.idx.msk vm9, v53  }
0xc5: {  	v56, _, _ =	vpop (xrf0);
	(v2sf) =	vpush v14, $0xF;
	v15 =	vld [tilespmem:s20+$0x4110]  }
0xc6: {  	(v2sf) =	vpush v56, $0xF;
	_ =	sdelay $0x2  }
0xc7: {  	s22 =	spop (v2sf)  }
0xc8: {  	vm10 =	vne.s32 v11, $0x0;
	s21 =	sadd.s32 s22, s21;
	v4 =	vsub.s32 v56, v11;
	[tilespmem:v3+s16+$0x0] =	vst.idx.msk vm9, v15  }
0xc9: {  	v3 =	vadd.s32 s21, v4;
	v57 =	vld [tilespmem:s20+$0x120];
	_ =	sdelay $0x4  }
0xca: {  	[tilespmem:v3+s15+$0x0] =	vst.idx.msk vm10, v57  }
0xcb: {  	v4 =	vld [tilespmem:s20+$0x4120];
	_ =	sdelay $0x2  }
0xcc: {  	s25 =	spop (v2sf)  }
0xcd: {  	s26 =	spop (v2sf)  }
0xce: {  	vm11 =	vne.s32 v10, $0x0;
	v58 =	vsub.s32 v14, v10;
	s21 =	sadd.s32 s26, s21;
	[tilespmem:v3+s16+$0x0] =	vst.idx.msk vm10, v4  }
0xcf: {  	(xrf0) =	vadd.scan.msk.s32 $0xffff, v9;
	v3 =	vadd.s32 s21, v58;
	v4 =	vld [tilespmem:s20+$0x130];
	_ =	sdelay $0x4  }
0xd0: {  	[tilespmem:v3+s15+$0x0] =	vst.idx.msk vm11, v4  }
0xd1: {  	v59, _, _ =	vpop (xrf0);
	v60 =	vld [tilespmem:s20+$0x4130]  }
0xd2: {  	(v2sf) =	vpush v59, $0xF;
	_ =	sdelay $0x3  }
0xd3: {  	vm12 =	vne.s32 v9, $0x0;
	s21 =	sadd.s32 s25, s21;
	[tilespmem:v3+s16+$0x0] =	vst.idx.msk vm11, v60;
	v3 =	vsub.s32 v59, v9  }
0xd4: {  	v3 =	vadd.s32 s21, v3;
	v61 =	vld [tilespmem:s20+$0x140];
	_ =	sdelay $0x4  }
0xd5: {  	[tilespmem:v3+s15+$0x0] =	vst.idx.msk vm12, v61  }
0xd6: {  	v4 =	vld [tilespmem:s20+$0x4140]  }
0xd7: {  	(v2sf) =	vpush v13, $0xF;
	_ =	sdelay $0x2  }
0xd8: {  	s28 =	spop (v2sf)  }
0xd9: {  	vm13 =	vne.s32 v51, $0x0;
	v62 =	vsub.s32 v13, v51;
	s21 =	sadd.s32 s28, s21;
	[tilespmem:v3+s16+$0x0] =	vst.idx.msk vm12, v4  }
0xda: {  	v3 =	vadd.s32 s21, v62;
	v4 =	vld [tilespmem:s20+$0x150];
	_ =	sdelay $0x4  }
0xdb: {  	[tilespmem:v3+s15+$0x0] =	vst.idx.msk vm13, v4  }
0xdc: {  	v4 =	vld [tilespmem:s20+$0x4150]  }
0xdd: {  	(v2sf) =	vpush v55, $0xF;
	_ =	sdelay $0x2  }
0xde: {  	s29 =	spop (v2sf)  }
0xdf: {  	vm14 =	vne.s32 v8, $0x0;
	v63 =	vsub.s32 v55, v8;
	s21 =	sadd.s32 s29, s21;
	[tilespmem:v3+s16+$0x0] =	vst.idx.msk vm13, v4  }
0xe0: {  	v3 =	vadd.s32 s21, v63;
	v4 =	vld [tilespmem:s20+$0x160];
	_ =	sdelay $0x4  }
0xe1: {  	[tilespmem:v3+s15+$0x0] =	vst.idx.msk vm14, v4  }
0xe2: {  	(v2sf) =	vpush v54, $0xF;
	v4 =	vld [tilespmem:s20+$0x4160];
	_ =	sdelay $0x3  }
0xe3: {  	s30 =	spop (v2sf)  }
0xe4: {  	vm15 =	vne.s32 v6, $0x0;
	v5 =	vsub.s32 v54, v6;
	s21 =	sadd.s32 s30, s21;
	[tilespmem:v3+s16+$0x0] =	vst.idx.msk vm14, v4  }
0xe5: {  	v3 =	vadd.s32 s21, v5;
	v4 =	vld [tilespmem:s20+$0x170];
	_ =	sdelay $0x4  }
0xe6: {  	[tilespmem:v3+s15+$0x0] =	vst.idx.msk vm15, v4  }
0xe7: {  	v4 =	vld [tilespmem:s20+$0x4170];
	_ =	sdelay $0x2  }
0xe8: {  	s31 =	spop (v2sf)  }
0xe9: {  	s20 =	sadd.s32 s31, s21  }
0xea: {  	[tilespmem:v3+s16+$0x0] =	vst.idx.msk vm15, v4;
	v3 =	vmov s20  }
0xeb: {  	[tilespmem:$0x14100] =	vst v3  }
0xec: {  	[hbm4b:s6+s5] =	stream.linear.scatter [tilespmem:s15], [sflag:$0x2], $0x4000, $0x38;
	[tilespmem:$0x14180] =	vst v63  }
0xed: {  	_ =	swait.ge [sflag:s17], $0x4000  }
0xee: {  	[sflag:s17] =	ssyncset.done $0x0  }
0xef: {  	[sflag:s17] =	ssyncadd.s32 $0xFFFFC000  }
0xf0: {  	[hbm4b:s7+s5] =	stream.linear.scatter [tilespmem:s16], [sflag:$0x2], $0x4000, $0x38;
	[tilespmem:$0x14180] =	vst v63  }
0xf1: {  	s19 =	sadd.s32 $0x1, s19;
	_ =	swait.ge [sflag:s17], $0x4000  }
0xf2: {  	p0 =	sne.s32 s19, s9;
	[sflag:s17] =	ssyncset.done $0x0  }
.Ltmp3:
0xf3: {  	[sflag:s17] =	ssyncadd.s32 $0xFFFFC000;
	(pc) =	sbr.rel @p0 .LBB2_2-.Ltmp3, $4  }
0xf4: {  	[hbm4b:s8+s5] =	stream.linear.scatter [tilespmem:s18], [sflag:$0x2], $0x10, $0x38;
	[tilespmem:$0x14180] =	vst v63  }
0xf5: {  	_ =	swait.ge [sflag:s17], $0x10  }
0xf6: {  	[sflag:s17] =	ssyncset.done $0x0  }
0xf7: {  	[sflag:s17] =	ssyncadd.s32 $0xFFFFFFF0  }
.LBB2_7:
0xf8: {  	_ =	sfence.sel $0x180000  }
0xf9: {  	[bflag:$0x0] =	sbarrier.arrive $0xFFFF  }
0xfa: {  	p0 =	sne.s32 s3, $0x0;
	_ =	strace $0x90000047  }
0xfb: {  	s0 =	sadd.s32 @!p0 $0x100000, s0;
	[bflag:$0x2] =	sbarrier.arrive $0xFFFF  }
0xfc: {  	[sflag:s0] =	ssyncadd.tile.s32 @!p0 $0x1;
	_ =	shalt  }
.Lfunc_end2:
_tile_overlayer_lowered:
.L_overlay_start_2:
0xfd: {  	(tag) =	ssettag $0x2  }
0xfe: {  	s0 =	rddreg [dreg:$0x0];
	s2 =	stileid.u32  }
0xff: {  	s1 =	rddreg [dreg:$0x1];
	p0 =	sne.s32 s2, $0x0  }
0x100: {  	s3 =	rddreg [dreg:$0x2];
	[bflag:$0x3] =	sbarrier.arrive $0xFFFF;
	s2 =	simm.s32 @!p0 $0x1C02  }
0x101: {  	[timem:s3], [sflag:s2] =	dma.local @!p0 [hbm:s0], s1  }
0x102: {  	s0 =	simm.s32 @!p0 $0x2  }
0x103: {  	_ =	swait.ge @!p0 [sflag:s0], s1  }
0x104: {  	s1 =	ssub.s32 @!p0 $0x0, s1;
	[sflag:s0] =	ssyncset.done @!p0 $0x0  }
0x105: {  	[sflag:s0] =	ssyncadd.s32 @!p0 s1  }
0x106: {  	[bflag:$0x3] =	sbarrier.arrive $0xFFFF  }
0x107: {  	_ =	shalt  }

</sc_bundles>
